<compile_context>
chip_gen: v7x
topology: tpu7x:2x2x1
jax: 0.10.2.dev20260603
libtpu: 0.0.44.dev20260713+nightly
codegen_flags: <defaults>
</compile_context>

<pallas_src>
import functools

import jax
import jax.numpy as jnp
from jax import lax
from jax.experimental import pallas as pl
from jax.experimental.pallas import tpu as pltpu
from jax.experimental.pallas import tpu_sc as plsc

_N_TABLES = 8
_VOCAB = 100000
_DIM = 64
_BATCH = 4096
_TOTAL = _N_TABLES * _BATCH

_info = plsc.get_sparse_core_info()
_NC, _NS, _L = _info.num_cores, _info.num_subcores, _info.num_lanes
_NW = _NC * _NS
_W_PER_TABLE = _NW // _N_TABLES
_D_PER_W = _DIM // _W_PER_TABLE

_NCHUNK = _BATCH // _L


@functools.partial(
    pl.kernel,
    out_type=jax.ShapeDtypeStruct((_DIM, _TOTAL), jnp.float32),
    mesh=plsc.VectorSubcoreMesh(core_axis_name="c", subcore_axis_name="s"),
    scratch_types=[
        pltpu.VMEM((_BATCH,), jnp.int32),
        pltpu.VMEM((_VOCAB,), jnp.float32),
        pltpu.VMEM((_BATCH,), jnp.float32),
        pltpu.VMEM((_BATCH,), jnp.float32),
        pltpu.SemaphoreType.DMA,
        pltpu.SemaphoreType.DMA,
        pltpu.SemaphoreType.DMA,
    ],
    compiler_params=pltpu.CompilerParams(
        use_tc_tiling_on_sc=True, needs_layout_passes=False
    ),
)
def _gather_kernel(
    ids_hbm, tables_hbm, out_hbm,
    ids_v, col_v, out0_v, out1_v,
    sem_st, sem_o0, sem_o1,
):
    wid = lax.axis_index("s") * _NC + lax.axis_index("c")
    t = wid // _W_PER_TABLE
    d0 = (wid % _W_PER_TABLE) * _D_PER_W

    def _stage(k):
        return (pltpu.async_copy(tables_hbm.at[t, d0 + k], col_v, sem_st),)

    cps = _stage(0)
    pltpu.sync_copy(ids_hbm.at[t], ids_v)

    def _gather(out_v):
        def _body(i):
            sl = pl.ds(i * _L, _L)
            out_v[sl] = plsc.load_gather(col_v, [ids_v[sl]])

        plsc.parallel_loop(0, _NCHUNK, 1, unroll=4)(_body)

    out_bufs = (out0_v, out1_v)
    out_sems = (sem_o0, sem_o1)
    out_copies = [None, None]

    for k in range(_D_PER_W):
        out_v = out_bufs[k % 2]
        if out_copies[k % 2] is not None:
            out_copies[k % 2].wait()
        for cp in cps:
            cp.wait()
        _gather(out_v)
        if k + 1 < _D_PER_W:
            cps = _stage(k + 1)
        out_copies[k % 2] = pltpu.async_copy(
            out_v, out_hbm.at[d0 + k, pl.ds(t * _BATCH, _BATCH)], out_sems[k % 2]
        )
    for c in out_copies:
        c.wait()


def kernel(ids, tables):
    tables_t = tables.transpose(0, 2, 1)
    out_t = _gather_kernel(ids, tables_t)
    return out_t.T

# --- scband reference (transcript-rebuilt; emitter-appended) ---
"""Pipeline reference for scband-rec-store-embedding-bag-collection-66202625901160 (READ-ONLY COPY).

The authoritative reference and input builder live on the scoring server;
editing this copy changes nothing except your own understanding.
"""

import jax, jax.numpy as jnp
import numpy as np

N_TABLES = 8
VOCAB = 100000
DIM = 64
BATCH = 4096


def setup_inputs(seed: int = 0) -> dict:
    key = jax.random.key(seed)
    k1, k2 = jax.random.split(key)
    # Learned parameters: one embedding table per key in the collection,
    # sized per init_kwargs (num_embeddings=100000, embedding_dim=64).
    tables = jax.random.normal(k1, (N_TABLES, VOCAB, DIM), dtype=jnp.float32) * 0.01
    # KeyedJaggedTensor values: ids[t] holds the lookup ids for key 'table_t'
    # (one id per sample, lengths all ones -> pooling is identity).
    ids = jax.random.randint(k2, (N_TABLES, BATCH), 0, VOCAB, dtype=jnp.int32)
    return {"ids": ids, "tables": tables}


def reference(ids, tables):
    # _RecStoreEBCFunction.forward: for each key, pull embeddings for that
    # key's ids from the backend store (a row gather from the table), then
    # concatenate all pulled embeddings along dim 0 in key order.
    pulled = jax.vmap(lambda table, i: jnp.take(table, i, axis=0))(tables, ids)
    # torch.cat([pulled_embs[key] for key in keys], dim=0)
    output_values = pulled.reshape(N_TABLES * BATCH, DIM)
    return output_values

if __name__ == "__main__":
    import jax
    _d = setup_inputs()
    print(jax.jit(kernel)(*tuple(_d.values())))

</pallas_src>

<mosaic_0001>
#map = affine_map<(d0, d1) -> (0, 0)>
#map1 = affine_map<(d0, d1) -> (0, 0, 0)>
module attributes {stable_mosaic.version = 14 : i64} {
  func.func @_gather_kernel(%arg0: i32, %arg1: i32, %arg2: memref<8x4096xi32, #tpu.memory_space<hbm>>, %arg3: memref<8x64x100000xf32, #tpu.memory_space<hbm>>, %arg4: memref<64x32768xf32, #tpu.memory_space<hbm>>, %arg5: memref<4096xi32, #tpu.memory_space<vmem>>, %arg6: memref<100000xf32, #tpu.memory_space<vmem>>, %arg7: memref<4096xf32, #tpu.memory_space<vmem>>, %arg8: memref<4096xf32, #tpu.memory_space<vmem>>, %arg9: memref<!tpu.dma_semaphore, #tpu.memory_space<semaphore_mem>>, %arg10: memref<!tpu.dma_semaphore, #tpu.memory_space<semaphore_mem>>, %arg11: memref<!tpu.dma_semaphore, #tpu.memory_space<semaphore_mem>>) attributes {dimension_semantics = [#tpu.dimension_semantics<core_parallel>, #tpu.dimension_semantics<subcore_parallel>], iteration_bounds = array<i64: 2, 16>, scalar_prefetch = 0 : i64, scratch_operands = 7 : i64, tpu.core_type = #tpu.core_type<sc_vector_subcore>, window_params = [{transform_indices = #map}, {transform_indices = #map1}, {transform_indices = #map}]} {
    %mul3A = arith.constant 2 : i32
    %mul3A_0 = arith.muli %arg1, %mul3A : i32
    %add3A = arith.addi %mul3A_0, %arg0 : i32
    %jit3A = arith.constant 4 : i32
    %div3A = arith.divsi %add3A, %jit3A : i32
    %sign3A = arith.constant 0 : i32
    %sign3A_1 = arith.cmpi sgt, %add3A, %sign3A : i32
    %sign3A_2 = arith.extui %sign3A_1 : i1 to i32
    %sign3A_3 = arith.constant 0 : i32
    %sign3A_4 = arith.cmpi slt, %add3A, %sign3A_3 : i32
    %sign3A_5 = arith.extui %sign3A_4 : i1 to i32
    %sign3A_6 = arith.subi %sign3A_2, %sign3A_5 : i32
    %sign3A_7 = arith.constant 0 : i32
    %sign3A_8 = arith.cmpi sgt, %jit3A, %sign3A_7 : i32
    %sign3A_9 = arith.extui %sign3A_8 : i1 to i32
    %sign3A_10 = arith.constant 0 : i32
    %sign3A_11 = arith.cmpi slt, %jit3A, %sign3A_10 : i32
    %sign3A_12 = arith.extui %sign3A_11 : i1 to i32
    %sign3A_13 = arith.subi %sign3A_9, %sign3A_12 : i32
    %ne3A = arith.cmpi ne, %sign3A_6, %sign3A_13 : i32
    %rem3A = arith.remsi %add3A, %jit3A : i32
    %ne3A_14 = arith.constant 0 : i32
    %ne3A_15 = arith.cmpi ne, %rem3A, %ne3A_14 : i32
    %and3A = arith.andi %ne3A, %ne3A_15 : i1
    %sub3A = arith.constant 1 : i32
    %sub3A_16 = arith.subi %div3A, %sub3A : i32
    %select_n3A = arith.select %and3A, %sub3A_16, %div3A : i32
    %jit3A_17 = arith.constant 4 : i32
    %eq3A = arith.constant 0 : i32
    %eq3A_18 = arith.cmpi eq, %jit3A_17, %eq3A : i32
    %jit3A_19 = arith.constant 1 : i32
    %select_n3A_20 = arith.select %eq3A_18, %jit3A_19, %jit3A_17 : i32
    %rem3A_21 = arith.remsi %add3A, %select_n3A_20 : i32
    %ne3A_22 = arith.constant 0 : i32
    %ne3A_23 = arith.cmpi ne, %rem3A_21, %ne3A_22 : i32
    %lt3A = arith.constant 0 : i32
    %lt3A_24 = arith.cmpi slt, %rem3A_21, %lt3A : i32
    %lt3A_25 = arith.constant 0 : i32
    %lt3A_26 = arith.cmpi slt, %select_n3A_20, %lt3A_25 : i32
    %ne3A_27 = arith.xori %lt3A_24, %lt3A_26 : i1
    %and3A_28 = arith.andi %ne3A_27, %ne3A_23 : i1
    %add3A_29 = arith.addi %rem3A_21, %select_n3A_20 : i32
    %select_n3A_30 = arith.select %and3A_28, %add3A_29, %rem3A_21 : i32
    %mul3A_31 = arith.constant 16 : i32
    %mul3A_32 = arith.muli %select_n3A_30, %mul3A_31 : i32
    %add3A_33 = arith.constant 0 : i32
    %add3A_34 = arith.addi %mul3A_32, %add3A_33 : i32
    %dma_start3A = arith.constant 0 : i32
    %dma_start3A_35 = tpu.memref_slice %arg3[%select_n3A, %add3A_34, %dma_start3A] : memref<8x64x100000xf32, #tpu.memory_space<hbm>> -> memref<1x1x100000xf32, #tpu.memory_space<hbm>>
    %dma_start3A_36 = tpu.memref_squeeze %dma_start3A_35 : memref<1x1x100000xf32, #tpu.memory_space<hbm>> -> memref<100000xf32, #tpu.memory_space<hbm>>
    %dma_start3A_37 = arith.constant 0 : i32
    %dma_start3A_38 = tpu.memref_slice %arg3[%select_n3A, %add3A_34, %dma_start3A_37] : memref<8x64x100000xf32, #tpu.memory_space<hbm>> -> memref<1x1x100000xf32, #tpu.memory_space<hbm>>
    %dma_start3A_39 = tpu.memref_squeeze %dma_start3A_38 : memref<1x1x100000xf32, #tpu.memory_space<hbm>> -> memref<100000xf32, #tpu.memory_space<hbm>>
    tpu.enqueue_dma source(%dma_start3A_39 : memref<100000xf32, #tpu.memory_space<hbm>>) target(%arg6 : memref<100000xf32, #tpu.memory_space<vmem>>) target_semaphore(%arg9 : memref<!tpu.dma_semaphore, #tpu.memory_space<semaphore_mem>>)
    "tpu.region"() ({
      %run_scoped3A = tpu.sem_alloc : memref<!tpu.dma_semaphore, #tpu.memory_space<semaphore_mem>>
      %dma_start3A_494 = arith.constant 0 : i32
      %dma_start3A_495 = tpu.memref_slice %arg2[%select_n3A, %dma_start3A_494] : memref<8x4096xi32, #tpu.memory_space<hbm>> -> memref<1x4096xi32, #tpu.memory_space<hbm>>
      %dma_start3A_496 = tpu.memref_squeeze %dma_start3A_495 : memref<1x4096xi32, #tpu.memory_space<hbm>> -> memref<4096xi32, #tpu.memory_space<hbm>>
      %dma_start3A_497 = arith.constant 0 : i32
      %dma_start3A_498 = tpu.memref_slice %arg2[%select_n3A, %dma_start3A_497] : memref<8x4096xi32, #tpu.memory_space<hbm>> -> memref<1x4096xi32, #tpu.memory_space<hbm>>
      %dma_start3A_499 = tpu.memref_squeeze %dma_start3A_498 : memref<1x4096xi32, #tpu.memory_space<hbm>> -> memref<4096xi32, #tpu.memory_space<hbm>>
      tpu.enqueue_dma source(%dma_start3A_499 : memref<4096xi32, #tpu.memory_space<hbm>>) target(%arg5 : memref<4096xi32, #tpu.memory_space<vmem>>) target_semaphore(%run_scoped3A : memref<!tpu.dma_semaphore, #tpu.memory_space<semaphore_mem>>)
      %dma_wait3A_500 = arith.constant 0 : i32
      %dma_wait3A_501 = tpu.memref_slice %arg2[%select_n3A, %dma_wait3A_500] : memref<8x4096xi32, #tpu.memory_space<hbm>> -> memref<1x4096xi32, #tpu.memory_space<hbm>>
      %dma_wait3A_502 = tpu.memref_squeeze %dma_wait3A_501 : memref<1x4096xi32, #tpu.memory_space<hbm>> -> memref<4096xi32, #tpu.memory_space<hbm>>
      %dma_wait3A_503 = arith.constant 0 : i32
      %dma_wait3A_504 = tpu.memref_slice %arg2[%select_n3A, %dma_wait3A_503] : memref<8x4096xi32, #tpu.memory_space<hbm>> -> memref<1x4096xi32, #tpu.memory_space<hbm>>
      %dma_wait3A_505 = tpu.memref_squeeze %dma_wait3A_504 : memref<1x4096xi32, #tpu.memory_space<hbm>> -> memref<4096xi32, #tpu.memory_space<hbm>>
      tpu.wait_dma2 semaphore(%run_scoped3A : memref<!tpu.dma_semaphore, #tpu.memory_space<semaphore_mem>>) src(%dma_wait3A_505 : memref<4096xi32, #tpu.memory_space<hbm>>) dst(%arg5 : memref<4096xi32, #tpu.memory_space<vmem>>)
      tpu.yield
    }) : () -> ()
    %dma_wait3A = arith.constant 0 : i32
    %dma_wait3A_40 = tpu.memref_slice %arg3[%select_n3A, %add3A_34, %dma_wait3A] : memref<8x64x100000xf32, #tpu.memory_space<hbm>> -> memref<1x1x100000xf32, #tpu.memory_space<hbm>>
    %dma_wait3A_41 = tpu.memref_squeeze %dma_wait3A_40 : memref<1x1x100000xf32, #tpu.memory_space<hbm>> -> memref<100000xf32, #tpu.memory_space<hbm>>
    %dma_wait3A_42 = arith.constant 0 : i32
    %dma_wait3A_43 = tpu.memref_slice %arg3[%select_n3A, %add3A_34, %dma_wait3A_42] : memref<8x64x100000xf32, #tpu.memory_space<hbm>> -> memref<1x1x100000xf32, #tpu.memory_space<hbm>>
    %dma_wait3A_44 = tpu.memref_squeeze %dma_wait3A_43 : memref<1x1x100000xf32, #tpu.memory_space<hbm>> -> memref<100000xf32, #tpu.memory_space<hbm>>
    tpu.wait_dma2 semaphore(%arg9 : memref<!tpu.dma_semaphore, #tpu.memory_space<semaphore_mem>>) src(%dma_wait3A_44 : memref<100000xf32, #tpu.memory_space<hbm>>) dst(%arg6 : memref<100000xf32, #tpu.memory_space<vmem>>)
    %parallel_loop3A = arith.constant 0 : i32
    %parallel_loop3A_45 = arith.constant 256 : i32
    %parallel_loop3A_46 = arith.constant 1 : i32
    scf.for %parallel_loop3A_494 = %parallel_loop3A to %parallel_loop3A_45 step %parallel_loop3A_46  : i32 {
      %parallel_loop3A_495 = arith.constant 16 : i32
      %parallel_loop3A_496 = arith.muli %parallel_loop3A_494, %parallel_loop3A_495 : i32
      %parallel_loop3A_497 = arith.index_cast %parallel_loop3A_496 : i32 to index
      %parallel_loop3A_498 = tpu.vector_load %arg5[%parallel_loop3A_497] {strides = array<i32>} : memref<4096xi32, #tpu.memory_space<vmem>>, vector<16xi32>,
      %parallel_loop3A_499 = tpu.vector_load_idx %arg6[%parallel_loop3A_498] : memref<100000xf32, #tpu.memory_space<vmem>>[vector<16xi32>], vector<16xf32>,
      %parallel_loop3A_500 = arith.index_cast %parallel_loop3A_496 : i32 to index
      %parallel_loop3A_501 = tpu.vector_load %arg7[%parallel_loop3A_500] {strides = array<i32>} : memref<4096xf32, #tpu.memory_space<vmem>>, vector<16xf32>,
      tpu.vector_store %arg7[%parallel_loop3A_500], %parallel_loop3A_499 {strides = array<i32>} : memref<4096xf32, #tpu.memory_space<vmem>>, vector<16xf32>,
    } {sc.loop_unroll_factor = 4 : i64, sc.parallel_access}
    %add3A_47 = arith.constant 1 : i32
    %add3A_48 = arith.addi %mul3A_32, %add3A_47 : i32
    %dma_start3A_49 = arith.constant 0 : i32
    %dma_start3A_50 = tpu.memref_slice %arg3[%select_n3A, %add3A_48, %dma_start3A_49] : memref<8x64x100000xf32, #tpu.memory_space<hbm>> -> memref<1x1x100000xf32, #tpu.memory_space<hbm>>
    %dma_start3A_51 = tpu.memref_squeeze %dma_start3A_50 : memref<1x1x100000xf32, #tpu.memory_space<hbm>> -> memref<100000xf32, #tpu.memory_space<hbm>>
    %dma_start3A_52 = arith.constant 0 : i32
    %dma_start3A_53 = tpu.memref_slice %arg3[%select_n3A, %add3A_48, %dma_start3A_52] : memref<8x64x100000xf32, #tpu.memory_space<hbm>> -> memref<1x1x100000xf32, #tpu.memory_space<hbm>>
    %dma_start3A_54 = tpu.memref_squeeze %dma_start3A_53 : memref<1x1x100000xf32, #tpu.memory_space<hbm>> -> memref<100000xf32, #tpu.memory_space<hbm>>
    tpu.enqueue_dma source(%dma_start3A_54 : memref<100000xf32, #tpu.memory_space<hbm>>) target(%arg6 : memref<100000xf32, #tpu.memory_space<vmem>>) target_semaphore(%arg9 : memref<!tpu.dma_semaphore, #tpu.memory_space<semaphore_mem>>)
    %add3A_55 = arith.constant 0 : i32
    %add3A_56 = arith.addi %mul3A_32, %add3A_55 : i32
    %mul3A_57 = arith.constant 4096 : i32
    %mul3A_58 = arith.muli %select_n3A, %mul3A_57 : i32
    %dma_start3A_59 = tpu.memref_slice %arg4[%add3A_56, %mul3A_58] : memref<64x32768xf32, #tpu.memory_space<hbm>> -> memref<1x4096xf32, #tpu.memory_space<hbm>>
    %dma_start3A_60 = tpu.memref_squeeze %dma_start3A_59 : memref<1x4096xf32, #tpu.memory_space<hbm>> -> memref<4096xf32, #tpu.memory_space<hbm>>
    %dma_start3A_61 = tpu.memref_slice %arg4[%add3A_56, %mul3A_58] : memref<64x32768xf32, #tpu.memory_space<hbm>> -> memref<1x4096xf32, #tpu.memory_space<hbm>>
    %dma_start3A_62 = tpu.memref_squeeze %dma_start3A_61 : memref<1x4096xf32, #tpu.memory_space<hbm>> -> memref<4096xf32, #tpu.memory_space<hbm>>
    tpu.enqueue_dma source(%arg7 : memref<4096xf32, #tpu.memory_space<vmem>>) target(%dma_start3A_62 : memref<4096xf32, #tpu.memory_space<hbm>>) target_semaphore(%arg10 : memref<!tpu.dma_semaphore, #tpu.memory_space<semaphore_mem>>)
    %dma_wait3A_63 = arith.constant 0 : i32
    %dma_wait3A_64 = tpu.memref_slice %arg3[%select_n3A, %add3A_48, %dma_wait3A_63] : memref<8x64x100000xf32, #tpu.memory_space<hbm>> -> memref<1x1x100000xf32, #tpu.memory_space<hbm>>
    %dma_wait3A_65 = tpu.memref_squeeze %dma_wait3A_64 : memref<1x1x100000xf32, #tpu.memory_space<hbm>> -> memref<100000xf32, #tpu.memory_space<hbm>>
    %dma_wait3A_66 = arith.constant 0 : i32
    %dma_wait3A_67 = tpu.memref_slice %arg3[%select_n3A, %add3A_48, %dma_wait3A_66] : memref<8x64x100000xf32, #tpu.memory_space<hbm>> -> memref<1x1x100000xf32, #tpu.memory_space<hbm>>
    %dma_wait3A_68 = tpu.memref_squeeze %dma_wait3A_67 : memref<1x1x100000xf32, #tpu.memory_space<hbm>> -> memref<100000xf32, #tpu.memory_space<hbm>>
    tpu.wait_dma2 semaphore(%arg9 : memref<!tpu.dma_semaphore, #tpu.memory_space<semaphore_mem>>) src(%dma_wait3A_68 : memref<100000xf32, #tpu.memory_space<hbm>>) dst(%arg6 : memref<100000xf32, #tpu.memory_space<vmem>>)
    %parallel_loop3A_69 = arith.constant 0 : i32
    %parallel_loop3A_70 = arith.constant 256 : i32
    %parallel_loop3A_71 = arith.constant 1 : i32
    scf.for %parallel_loop3A_494 = %parallel_loop3A_69 to %parallel_loop3A_70 step %parallel_loop3A_71  : i32 {
      %parallel_loop3A_495 = arith.constant 16 : i32
      %parallel_loop3A_496 = arith.muli %parallel_loop3A_494, %parallel_loop3A_495 : i32
      %parallel_loop3A_497 = arith.index_cast %parallel_loop3A_496 : i32 to index
      %parallel_loop3A_498 = tpu.vector_load %arg5[%parallel_loop3A_497] {strides = array<i32>} : memref<4096xi32, #tpu.memory_space<vmem>>, vector<16xi32>,
      %parallel_loop3A_499 = tpu.vector_load_idx %arg6[%parallel_loop3A_498] : memref<100000xf32, #tpu.memory_space<vmem>>[vector<16xi32>], vector<16xf32>,
      %parallel_loop3A_500 = arith.index_cast %parallel_loop3A_496 : i32 to index
      %parallel_loop3A_501 = tpu.vector_load %arg8[%parallel_loop3A_500] {strides = array<i32>} : memref<4096xf32, #tpu.memory_space<vmem>>, vector<16xf32>,
      tpu.vector_store %arg8[%parallel_loop3A_500], %parallel_loop3A_499 {strides = array<i32>} : memref<4096xf32, #tpu.memory_space<vmem>>, vector<16xf32>,
    } {sc.loop_unroll_factor = 4 : i64, sc.parallel_access}
    %add3A_72 = arith.constant 2 : i32
    %add3A_73 = arith.addi %mul3A_32, %add3A_72 : i32
    %dma_start3A_74 = arith.constant 0 : i32
    %dma_start3A_75 = tpu.memref_slice %arg3[%select_n3A, %add3A_73, %dma_start3A_74] : memref<8x64x100000xf32, #tpu.memory_space<hbm>> -> memref<1x1x100000xf32, #tpu.memory_space<hbm>>
    %dma_start3A_76 = tpu.memref_squeeze %dma_start3A_75 : memref<1x1x100000xf32, #tpu.memory_space<hbm>> -> memref<100000xf32, #tpu.memory_space<hbm>>
    %dma_start3A_77 = arith.constant 0 : i32
    %dma_start3A_78 = tpu.memref_slice %arg3[%select_n3A, %add3A_73, %dma_start3A_77] : memref<8x64x100000xf32, #tpu.memory_space<hbm>> -> memref<1x1x100000xf32, #tpu.memory_space<hbm>>
    %dma_start3A_79 = tpu.memref_squeeze %dma_start3A_78 : memref<1x1x100000xf32, #tpu.memory_space<hbm>> -> memref<100000xf32, #tpu.memory_space<hbm>>
    tpu.enqueue_dma source(%dma_start3A_79 : memref<100000xf32, #tpu.memory_space<hbm>>) target(%arg6 : memref<100000xf32, #tpu.memory_space<vmem>>) target_semaphore(%arg9 : memref<!tpu.dma_semaphore, #tpu.memory_space<semaphore_mem>>)
    %add3A_80 = arith.constant 1 : i32
    %add3A_81 = arith.addi %mul3A_32, %add3A_80 : i32
    %mul3A_82 = arith.constant 4096 : i32
    %mul3A_83 = arith.muli %select_n3A, %mul3A_82 : i32
    %dma_start3A_84 = tpu.memref_slice %arg4[%add3A_81, %mul3A_83] : memref<64x32768xf32, #tpu.memory_space<hbm>> -> memref<1x4096xf32, #tpu.memory_space<hbm>>
    %dma_start3A_85 = tpu.memref_squeeze %dma_start3A_84 : memref<1x4096xf32, #tpu.memory_space<hbm>> -> memref<4096xf32, #tpu.memory_space<hbm>>
    %dma_start3A_86 = tpu.memref_slice %arg4[%add3A_81, %mul3A_83] : memref<64x32768xf32, #tpu.memory_space<hbm>> -> memref<1x4096xf32, #tpu.memory_space<hbm>>
    %dma_start3A_87 = tpu.memref_squeeze %dma_start3A_86 : memref<1x4096xf32, #tpu.memory_space<hbm>> -> memref<4096xf32, #tpu.memory_space<hbm>>
    tpu.enqueue_dma source(%arg8 : memref<4096xf32, #tpu.memory_space<vmem>>) target(%dma_start3A_87 : memref<4096xf32, #tpu.memory_space<hbm>>) target_semaphore(%arg11 : memref<!tpu.dma_semaphore, #tpu.memory_space<semaphore_mem>>)
    %dma_wait3A_88 = tpu.memref_slice %arg4[%add3A_56, %mul3A_58] : memref<64x32768xf32, #tpu.memory_space<hbm>> -> memref<1x4096xf32, #tpu.memory_space<hbm>>
    %dma_wait3A_89 = tpu.memref_squeeze %dma_wait3A_88 : memref<1x4096xf32, #tpu.memory_space<hbm>> -> memref<4096xf32, #tpu.memory_space<hbm>>
    %dma_wait3A_90 = tpu.memref_slice %arg4[%add3A_56, %mul3A_58] : memref<64x32768xf32, #tpu.memory_space<hbm>> -> memref<1x4096xf32, #tpu.memory_space<hbm>>
    %dma_wait3A_91 = tpu.memref_squeeze %dma_wait3A_90 : memref<1x4096xf32, #tpu.memory_space<hbm>> -> memref<4096xf32, #tpu.memory_space<hbm>>
    tpu.wait_dma2 semaphore(%arg10 : memref<!tpu.dma_semaphore, #tpu.memory_space<semaphore_mem>>) src(%arg7 : memref<4096xf32, #tpu.memory_space<vmem>>) dst(%dma_wait3A_91 : memref<4096xf32, #tpu.memory_space<hbm>>)
    %dma_wait3A_92 = arith.constant 0 : i32
    %dma_wait3A_93 = tpu.memref_slice %arg3[%select_n3A, %add3A_73, %dma_wait3A_92] : memref<8x64x100000xf32, #tpu.memory_space<hbm>> -> memref<1x1x100000xf32, #tpu.memory_space<hbm>>
    %dma_wait3A_94 = tpu.memref_squeeze %dma_wait3A_93 : memref<1x1x100000xf32, #tpu.memory_space<hbm>> -> memref<100000xf32, #tpu.memory_space<hbm>>
    %dma_wait3A_95 = arith.constant 0 : i32
    %dma_wait3A_96 = tpu.memref_slice %arg3[%select_n3A, %add3A_73, %dma_wait3A_95] : memref<8x64x100000xf32, #tpu.memory_space<hbm>> -> memref<1x1x100000xf32, #tpu.memory_space<hbm>>
    %dma_wait3A_97 = tpu.memref_squeeze %dma_wait3A_96 : memref<1x1x100000xf32, #tpu.memory_space<hbm>> -> memref<100000xf32, #tpu.memory_space<hbm>>
    tpu.wait_dma2 semaphore(%arg9 : memref<!tpu.dma_semaphore, #tpu.memory_space<semaphore_mem>>) src(%dma_wait3A_97 : memref<100000xf32, #tpu.memory_space<hbm>>) dst(%arg6 : memref<100000xf32, #tpu.memory_space<vmem>>)
    %parallel_loop3A_98 = arith.constant 0 : i32
    %parallel_loop3A_99 = arith.constant 256 : i32
    %parallel_loop3A_100 = arith.constant 1 : i32
    scf.for %parallel_loop3A_494 = %parallel_loop3A_98 to %parallel_loop3A_99 step %parallel_loop3A_100  : i32 {
      %parallel_loop3A_495 = arith.constant 16 : i32
      %parallel_loop3A_496 = arith.muli %parallel_loop3A_494, %parallel_loop3A_495 : i32
      %parallel_loop3A_497 = arith.index_cast %parallel_loop3A_496 : i32 to index
      %parallel_loop3A_498 = tpu.vector_load %arg5[%parallel_loop3A_497] {strides = array<i32>} : memref<4096xi32, #tpu.memory_space<vmem>>, vector<16xi32>,
      %parallel_loop3A_499 = tpu.vector_load_idx %arg6[%parallel_loop3A_498] : memref<100000xf32, #tpu.memory_space<vmem>>[vector<16xi32>], vector<16xf32>,
      %parallel_loop3A_500 = arith.index_cast %parallel_loop3A_496 : i32 to index
      %parallel_loop3A_501 = tpu.vector_load %arg7[%parallel_loop3A_500] {strides = array<i32>} : memref<4096xf32, #tpu.memory_space<vmem>>, vector<16xf32>,
      tpu.vector_store %arg7[%parallel_loop3A_500], %parallel_loop3A_499 {strides = array<i32>} : memref<4096xf32, #tpu.memory_space<vmem>>, vector<16xf32>,
    } {sc.loop_unroll_factor = 4 : i64, sc.parallel_access}
    %add3A_101 = arith.constant 3 : i32
    %add3A_102 = arith.addi %mul3A_32, %add3A_101 : i32
    %dma_start3A_103 = arith.constant 0 : i32
    %dma_start3A_104 = tpu.memref_slice %arg3[%select_n3A, %add3A_102, %dma_start3A_103] : memref<8x64x100000xf32, #tpu.memory_space<hbm>> -> memref<1x1x100000xf32, #tpu.memory_space<hbm>>
    %dma_start3A_105 = tpu.memref_squeeze %dma_start3A_104 : memref<1x1x100000xf32, #tpu.memory_space<hbm>> -> memref<100000xf32, #tpu.memory_space<hbm>>
    %dma_start3A_106 = arith.constant 0 : i32
    %dma_start3A_107 = tpu.memref_slice %arg3[%select_n3A, %add3A_102, %dma_start3A_106] : memref<8x64x100000xf32, #tpu.memory_space<hbm>> -> memref<1x1x100000xf32, #tpu.memory_space<hbm>>
    %dma_start3A_108 = tpu.memref_squeeze %dma_start3A_107 : memref<1x1x100000xf32, #tpu.memory_space<hbm>> -> memref<100000xf32, #tpu.memory_space<hbm>>
    tpu.enqueue_dma source(%dma_start3A_108 : memref<100000xf32, #tpu.memory_space<hbm>>) target(%arg6 : memref<100000xf32, #tpu.memory_space<vmem>>) target_semaphore(%arg9 : memref<!tpu.dma_semaphore, #tpu.memory_space<semaphore_mem>>)
    %add3A_109 = arith.constant 2 : i32
    %add3A_110 = arith.addi %mul3A_32, %add3A_109 : i32
    %mul3A_111 = arith.constant 4096 : i32
    %mul3A_112 = arith.muli %select_n3A, %mul3A_111 : i32
    %dma_start3A_113 = tpu.memref_slice %arg4[%add3A_110, %mul3A_112] : memref<64x32768xf32, #tpu.memory_space<hbm>> -> memref<1x4096xf32, #tpu.memory_space<hbm>>
    %dma_start3A_114 = tpu.memref_squeeze %dma_start3A_113 : memref<1x4096xf32, #tpu.memory_space<hbm>> -> memref<4096xf32, #tpu.memory_space<hbm>>
    %dma_start3A_115 = tpu.memref_slice %arg4[%add3A_110, %mul3A_112] : memref<64x32768xf32, #tpu.memory_space<hbm>> -> memref<1x4096xf32, #tpu.memory_space<hbm>>
    %dma_start3A_116 = tpu.memref_squeeze %dma_start3A_115 : memref<1x4096xf32, #tpu.memory_space<hbm>> -> memref<4096xf32, #tpu.memory_space<hbm>>
    tpu.enqueue_dma source(%arg7 : memref<4096xf32, #tpu.memory_space<vmem>>) target(%dma_start3A_116 : memref<4096xf32, #tpu.memory_space<hbm>>) target_semaphore(%arg10 : memref<!tpu.dma_semaphore, #tpu.memory_space<semaphore_mem>>)
    %dma_wait3A_117 = tpu.memref_slice %arg4[%add3A_81, %mul3A_83] : memref<64x32768xf32, #tpu.memory_space<hbm>> -> memref<1x4096xf32, #tpu.memory_space<hbm>>
    %dma_wait3A_118 = tpu.memref_squeeze %dma_wait3A_117 : memref<1x4096xf32, #tpu.memory_space<hbm>> -> memref<4096xf32, #tpu.memory_space<hbm>>
    %dma_wait3A_119 = tpu.memref_slice %arg4[%add3A_81, %mul3A_83] : memref<64x32768xf32, #tpu.memory_space<hbm>> -> memref<1x4096xf32, #tpu.memory_space<hbm>>
    %dma_wait3A_120 = tpu.memref_squeeze %dma_wait3A_119 : memref<1x4096xf32, #tpu.memory_space<hbm>> -> memref<4096xf32, #tpu.memory_space<hbm>>
    tpu.wait_dma2 semaphore(%arg11 : memref<!tpu.dma_semaphore, #tpu.memory_space<semaphore_mem>>) src(%arg8 : memref<4096xf32, #tpu.memory_space<vmem>>) dst(%dma_wait3A_120 : memref<4096xf32, #tpu.memory_space<hbm>>)
    %dma_wait3A_121 = arith.constant 0 : i32
    %dma_wait3A_122 = tpu.memref_slice %arg3[%select_n3A, %add3A_102, %dma_wait3A_121] : memref<8x64x100000xf32, #tpu.memory_space<hbm>> -> memref<1x1x100000xf32, #tpu.memory_space<hbm>>
    %dma_wait3A_123 = tpu.memref_squeeze %dma_wait3A_122 : memref<1x1x100000xf32, #tpu.memory_space<hbm>> -> memref<100000xf32, #tpu.memory_space<hbm>>
    %dma_wait3A_124 = arith.constant 0 : i32
    %dma_wait3A_125 = tpu.memref_slice %arg3[%select_n3A, %add3A_102, %dma_wait3A_124] : memref<8x64x100000xf32, #tpu.memory_space<hbm>> -> memref<1x1x100000xf32, #tpu.memory_space<hbm>>
    %dma_wait3A_126 = tpu.memref_squeeze %dma_wait3A_125 : memref<1x1x100000xf32, #tpu.memory_space<hbm>> -> memref<100000xf32, #tpu.memory_space<hbm>>
    tpu.wait_dma2 semaphore(%arg9 : memref<!tpu.dma_semaphore, #tpu.memory_space<semaphore_mem>>) src(%dma_wait3A_126 : memref<100000xf32, #tpu.memory_space<hbm>>) dst(%arg6 : memref<100000xf32, #tpu.memory_space<vmem>>)
    %parallel_loop3A_127 = arith.constant 0 : i32
    %parallel_loop3A_128 = arith.constant 256 : i32
    %parallel_loop3A_129 = arith.constant 1 : i32
    scf.for %parallel_loop3A_494 = %parallel_loop3A_127 to %parallel_loop3A_128 step %parallel_loop3A_129  : i32 {
      %parallel_loop3A_495 = arith.constant 16 : i32
      %parallel_loop3A_496 = arith.muli %parallel_loop3A_494, %parallel_loop3A_495 : i32
      %parallel_loop3A_497 = arith.index_cast %parallel_loop3A_496 : i32 to index
      %parallel_loop3A_498 = tpu.vector_load %arg5[%parallel_loop3A_497] {strides = array<i32>} : memref<4096xi32, #tpu.memory_space<vmem>>, vector<16xi32>,
      %parallel_loop3A_499 = tpu.vector_load_idx %arg6[%parallel_loop3A_498] : memref<100000xf32, #tpu.memory_space<vmem>>[vector<16xi32>], vector<16xf32>,
      %parallel_loop3A_500 = arith.index_cast %parallel_loop3A_496 : i32 to index
      %parallel_loop3A_501 = tpu.vector_load %arg8[%parallel_loop3A_500] {strides = array<i32>} : memref<4096xf32, #tpu.memory_space<vmem>>, vector<16xf32>,
      tpu.vector_store %arg8[%parallel_loop3A_500], %parallel_loop3A_499 {strides = array<i32>} : memref<4096xf32, #tpu.memory_space<vmem>>, vector<16xf32>,
    } {sc.loop_unroll_factor = 4 : i64, sc.parallel_access}
    %add3A_130 = arith.constant 4 : i32
    %add3A_131 = arith.addi %mul3A_32, %add3A_130 : i32
    %dma_start3A_132 = arith.constant 0 : i32
    %dma_start3A_133 = tpu.memref_slice %arg3[%select_n3A, %add3A_131, %dma_start3A_132] : memref<8x64x100000xf32, #tpu.memory_space<hbm>> -> memref<1x1x100000xf32, #tpu.memory_space<hbm>>
    %dma_start3A_134 = tpu.memref_squeeze %dma_start3A_133 : memref<1x1x100000xf32, #tpu.memory_space<hbm>> -> memref<100000xf32, #tpu.memory_space<hbm>>
    %dma_start3A_135 = arith.constant 0 : i32
    %dma_start3A_136 = tpu.memref_slice %arg3[%select_n3A, %add3A_131, %dma_start3A_135] : memref<8x64x100000xf32, #tpu.memory_space<hbm>> -> memref<1x1x100000xf32, #tpu.memory_space<hbm>>
    %dma_start3A_137 = tpu.memref_squeeze %dma_start3A_136 : memref<1x1x100000xf32, #tpu.memory_space<hbm>> -> memref<100000xf32, #tpu.memory_space<hbm>>
    tpu.enqueue_dma source(%dma_start3A_137 : memref<100000xf32, #tpu.memory_space<hbm>>) target(%arg6 : memref<100000xf32, #tpu.memory_space<vmem>>) target_semaphore(%arg9 : memref<!tpu.dma_semaphore, #tpu.memory_space<semaphore_mem>>)
    %add3A_138 = arith.constant 3 : i32
    %add3A_139 = arith.addi %mul3A_32, %add3A_138 : i32
    %mul3A_140 = arith.constant 4096 : i32
    %mul3A_141 = arith.muli %select_n3A, %mul3A_140 : i32
    %dma_start3A_142 = tpu.memref_slice %arg4[%add3A_139, %mul3A_141] : memref<64x32768xf32, #tpu.memory_space<hbm>> -> memref<1x4096xf32, #tpu.memory_space<hbm>>
    %dma_start3A_143 = tpu.memref_squeeze %dma_start3A_142 : memref<1x4096xf32, #tpu.memory_space<hbm>> -> memref<4096xf32, #tpu.memory_space<hbm>>
    %dma_start3A_144 = tpu.memref_slice %arg4[%add3A_139, %mul3A_141] : memref<64x32768xf32, #tpu.memory_space<hbm>> -> memref<1x4096xf32, #tpu.memory_space<hbm>>
    %dma_start3A_145 = tpu.memref_squeeze %dma_start3A_144 : memref<1x4096xf32, #tpu.memory_space<hbm>> -> memref<4096xf32, #tpu.memory_space<hbm>>
    tpu.enqueue_dma source(%arg8 : memref<4096xf32, #tpu.memory_space<vmem>>) target(%dma_start3A_145 : memref<4096xf32, #tpu.memory_space<hbm>>) target_semaphore(%arg11 : memref<!tpu.dma_semaphore, #tpu.memory_space<semaphore_mem>>)
    %dma_wait3A_146 = tpu.memref_slice %arg4[%add3A_110, %mul3A_112] : memref<64x32768xf32, #tpu.memory_space<hbm>> -> memref<1x4096xf32, #tpu.memory_space<hbm>>
    %dma_wait3A_147 = tpu.memref_squeeze %dma_wait3A_146 : memref<1x4096xf32, #tpu.memory_space<hbm>> -> memref<4096xf32, #tpu.memory_space<hbm>>
    %dma_wait3A_148 = tpu.memref_slice %arg4[%add3A_110, %mul3A_112] : memref<64x32768xf32, #tpu.memory_space<hbm>> -> memref<1x4096xf32, #tpu.memory_space<hbm>>
    %dma_wait3A_149 = tpu.memref_squeeze %dma_wait3A_148 : memref<1x4096xf32, #tpu.memory_space<hbm>> -> memref<4096xf32, #tpu.memory_space<hbm>>
    tpu.wait_dma2 semaphore(%arg10 : memref<!tpu.dma_semaphore, #tpu.memory_space<semaphore_mem>>) src(%arg7 : memref<4096xf32, #tpu.memory_space<vmem>>) dst(%dma_wait3A_149 : memref<4096xf32, #tpu.memory_space<hbm>>)
    %dma_wait3A_150 = arith.constant 0 : i32
    %dma_wait3A_151 = tpu.memref_slice %arg3[%select_n3A, %add3A_131, %dma_wait3A_150] : memref<8x64x100000xf32, #tpu.memory_space<hbm>> -> memref<1x1x100000xf32, #tpu.memory_space<hbm>>
    %dma_wait3A_152 = tpu.memref_squeeze %dma_wait3A_151 : memref<1x1x100000xf32, #tpu.memory_space<hbm>> -> memref<100000xf32, #tpu.memory_space<hbm>>
    %dma_wait3A_153 = arith.constant 0 : i32
    %dma_wait3A_154 = tpu.memref_slice %arg3[%select_n3A, %add3A_131, %dma_wait3A_153] : memref<8x64x100000xf32, #tpu.memory_space<hbm>> -> memref<1x1x100000xf32, #tpu.memory_space<hbm>>
    %dma_wait3A_155 = tpu.memref_squeeze %dma_wait3A_154 : memref<1x1x100000xf32, #tpu.memory_space<hbm>> -> memref<100000xf32, #tpu.memory_space<hbm>>
    tpu.wait_dma2 semaphore(%arg9 : memref<!tpu.dma_semaphore, #tpu.memory_space<semaphore_mem>>) src(%dma_wait3A_155 : memref<100000xf32, #tpu.memory_space<hbm>>) dst(%arg6 : memref<100000xf32, #tpu.memory_space<vmem>>)
    %parallel_loop3A_156 = arith.constant 0 : i32
    %parallel_loop3A_157 = arith.constant 256 : i32
    %parallel_loop3A_158 = arith.constant 1 : i32
    scf.for %parallel_loop3A_494 = %parallel_loop3A_156 to %parallel_loop3A_157 step %parallel_loop3A_158  : i32 {
      %parallel_loop3A_495 = arith.constant 16 : i32
      %parallel_loop3A_496 = arith.muli %parallel_loop3A_494, %parallel_loop3A_495 : i32
      %parallel_loop3A_497 = arith.index_cast %parallel_loop3A_496 : i32 to index
      %parallel_loop3A_498 = tpu.vector_load %arg5[%parallel_loop3A_497] {strides = array<i32>} : memref<4096xi32, #tpu.memory_space<vmem>>, vector<16xi32>,
      %parallel_loop3A_499 = tpu.vector_load_idx %arg6[%parallel_loop3A_498] : memref<100000xf32, #tpu.memory_space<vmem>>[vector<16xi32>], vector<16xf32>,
      %parallel_loop3A_500 = arith.index_cast %parallel_loop3A_496 : i32 to index
      %parallel_loop3A_501 = tpu.vector_load %arg7[%parallel_loop3A_500] {strides = array<i32>} : memref<4096xf32, #tpu.memory_space<vmem>>, vector<16xf32>,
      tpu.vector_store %arg7[%parallel_loop3A_500], %parallel_loop3A_499 {strides = array<i32>} : memref<4096xf32, #tpu.memory_space<vmem>>, vector<16xf32>,
    } {sc.loop_unroll_factor = 4 : i64, sc.parallel_access}
    %add3A_159 = arith.constant 5 : i32
    %add3A_160 = arith.addi %mul3A_32, %add3A_159 : i32
    %dma_start3A_161 = arith.constant 0 : i32
    %dma_start3A_162 = tpu.memref_slice %arg3[%select_n3A, %add3A_160, %dma_start3A_161] : memref<8x64x100000xf32, #tpu.memory_space<hbm>> -> memref<1x1x100000xf32, #tpu.memory_space<hbm>>
    %dma_start3A_163 = tpu.memref_squeeze %dma_start3A_162 : memref<1x1x100000xf32, #tpu.memory_space<hbm>> -> memref<100000xf32, #tpu.memory_space<hbm>>
    %dma_start3A_164 = arith.constant 0 : i32
    %dma_start3A_165 = tpu.memref_slice %arg3[%select_n3A, %add3A_160, %dma_start3A_164] : memref<8x64x100000xf32, #tpu.memory_space<hbm>> -> memref<1x1x100000xf32, #tpu.memory_space<hbm>>
    %dma_start3A_166 = tpu.memref_squeeze %dma_start3A_165 : memref<1x1x100000xf32, #tpu.memory_space<hbm>> -> memref<100000xf32, #tpu.memory_space<hbm>>
    tpu.enqueue_dma source(%dma_start3A_166 : memref<100000xf32, #tpu.memory_space<hbm>>) target(%arg6 : memref<100000xf32, #tpu.memory_space<vmem>>) target_semaphore(%arg9 : memref<!tpu.dma_semaphore, #tpu.memory_space<semaphore_mem>>)
    %add3A_167 = arith.constant 4 : i32
    %add3A_168 = arith.addi %mul3A_32, %add3A_167 : i32
    %mul3A_169 = arith.constant 4096 : i32
    %mul3A_170 = arith.muli %select_n3A, %mul3A_169 : i32
    %dma_start3A_171 = tpu.memref_slice %arg4[%add3A_168, %mul3A_170] : memref<64x32768xf32, #tpu.memory_space<hbm>> -> memref<1x4096xf32, #tpu.memory_space<hbm>>
    %dma_start3A_172 = tpu.memref_squeeze %dma_start3A_171 : memref<1x4096xf32, #tpu.memory_space<hbm>> -> memref<4096xf32, #tpu.memory_space<hbm>>
    %dma_start3A_173 = tpu.memref_slice %arg4[%add3A_168, %mul3A_170] : memref<64x32768xf32, #tpu.memory_space<hbm>> -> memref<1x4096xf32, #tpu.memory_space<hbm>>
    %dma_start3A_174 = tpu.memref_squeeze %dma_start3A_173 : memref<1x4096xf32, #tpu.memory_space<hbm>> -> memref<4096xf32, #tpu.memory_space<hbm>>
    tpu.enqueue_dma source(%arg7 : memref<4096xf32, #tpu.memory_space<vmem>>) target(%dma_start3A_174 : memref<4096xf32, #tpu.memory_space<hbm>>) target_semaphore(%arg10 : memref<!tpu.dma_semaphore, #tpu.memory_space<semaphore_mem>>)
    %dma_wait3A_175 = tpu.memref_slice %arg4[%add3A_139, %mul3A_141] : memref<64x32768xf32, #tpu.memory_space<hbm>> -> memref<1x4096xf32, #tpu.memory_space<hbm>>
    %dma_wait3A_176 = tpu.memref_squeeze %dma_wait3A_175 : memref<1x4096xf32, #tpu.memory_space<hbm>> -> memref<4096xf32, #tpu.memory_space<hbm>>
    %dma_wait3A_177 = tpu.memref_slice %arg4[%add3A_139, %mul3A_141] : memref<64x32768xf32, #tpu.memory_space<hbm>> -> memref<1x4096xf32, #tpu.memory_space<hbm>>
    %dma_wait3A_178 = tpu.memref_squeeze %dma_wait3A_177 : memref<1x4096xf32, #tpu.memory_space<hbm>> -> memref<4096xf32, #tpu.memory_space<hbm>>
    tpu.wait_dma2 semaphore(%arg11 : memref<!tpu.dma_semaphore, #tpu.memory_space<semaphore_mem>>) src(%arg8 : memref<4096xf32, #tpu.memory_space<vmem>>) dst(%dma_wait3A_178 : memref<4096xf32, #tpu.memory_space<hbm>>)
    %dma_wait3A_179 = arith.constant 0 : i32
    %dma_wait3A_180 = tpu.memref_slice %arg3[%select_n3A, %add3A_160, %dma_wait3A_179] : memref<8x64x100000xf32, #tpu.memory_space<hbm>> -> memref<1x1x100000xf32, #tpu.memory_space<hbm>>
    %dma_wait3A_181 = tpu.memref_squeeze %dma_wait3A_180 : memref<1x1x100000xf32, #tpu.memory_space<hbm>> -> memref<100000xf32, #tpu.memory_space<hbm>>
    %dma_wait3A_182 = arith.constant 0 : i32
    %dma_wait3A_183 = tpu.memref_slice %arg3[%select_n3A, %add3A_160, %dma_wait3A_182] : memref<8x64x100000xf32, #tpu.memory_space<hbm>> -> memref<1x1x100000xf32, #tpu.memory_space<hbm>>
    %dma_wait3A_184 = tpu.memref_squeeze %dma_wait3A_183 : memref<1x1x100000xf32, #tpu.memory_space<hbm>> -> memref<100000xf32, #tpu.memory_space<hbm>>
    tpu.wait_dma2 semaphore(%arg9 : memref<!tpu.dma_semaphore, #tpu.memory_space<semaphore_mem>>) src(%dma_wait3A_184 : memref<100000xf32, #tpu.memory_space<hbm>>) dst(%arg6 : memref<100000xf32, #tpu.memory_space<vmem>>)
    %parallel_loop3A_185 = arith.constant 0 : i32
    %parallel_loop3A_186 = arith.constant 256 : i32
    %parallel_loop3A_187 = arith.constant 1 : i32
    scf.for %parallel_loop3A_494 = %parallel_loop3A_185 to %parallel_loop3A_186 step %parallel_loop3A_187  : i32 {
      %parallel_loop3A_495 = arith.constant 16 : i32
      %parallel_loop3A_496 = arith.muli %parallel_loop3A_494, %parallel_loop3A_495 : i32
      %parallel_loop3A_497 = arith.index_cast %parallel_loop3A_496 : i32 to index
      %parallel_loop3A_498 = tpu.vector_load %arg5[%parallel_loop3A_497] {strides = array<i32>} : memref<4096xi32, #tpu.memory_space<vmem>>, vector<16xi32>,
      %parallel_loop3A_499 = tpu.vector_load_idx %arg6[%parallel_loop3A_498] : memref<100000xf32, #tpu.memory_space<vmem>>[vector<16xi32>], vector<16xf32>,
      %parallel_loop3A_500 = arith.index_cast %parallel_loop3A_496 : i32 to index
      %parallel_loop3A_501 = tpu.vector_load %arg8[%parallel_loop3A_500] {strides = array<i32>} : memref<4096xf32, #tpu.memory_space<vmem>>, vector<16xf32>,
      tpu.vector_store %arg8[%parallel_loop3A_500], %parallel_loop3A_499 {strides = array<i32>} : memref<4096xf32, #tpu.memory_space<vmem>>, vector<16xf32>,
    } {sc.loop_unroll_factor = 4 : i64, sc.parallel_access}
    %add3A_188 = arith.constant 6 : i32
    %add3A_189 = arith.addi %mul3A_32, %add3A_188 : i32
    %dma_start3A_190 = arith.constant 0 : i32
    %dma_start3A_191 = tpu.memref_slice %arg3[%select_n3A, %add3A_189, %dma_start3A_190] : memref<8x64x100000xf32, #tpu.memory_space<hbm>> -> memref<1x1x100000xf32, #tpu.memory_space<hbm>>
    %dma_start3A_192 = tpu.memref_squeeze %dma_start3A_191 : memref<1x1x100000xf32, #tpu.memory_space<hbm>> -> memref<100000xf32, #tpu.memory_space<hbm>>
    %dma_start3A_193 = arith.constant 0 : i32
    %dma_start3A_194 = tpu.memref_slice %arg3[%select_n3A, %add3A_189, %dma_start3A_193] : memref<8x64x100000xf32, #tpu.memory_space<hbm>> -> memref<1x1x100000xf32, #tpu.memory_space<hbm>>
    %dma_start3A_195 = tpu.memref_squeeze %dma_start3A_194 : memref<1x1x100000xf32, #tpu.memory_space<hbm>> -> memref<100000xf32, #tpu.memory_space<hbm>>
    tpu.enqueue_dma source(%dma_start3A_195 : memref<100000xf32, #tpu.memory_space<hbm>>) target(%arg6 : memref<100000xf32, #tpu.memory_space<vmem>>) target_semaphore(%arg9 : memref<!tpu.dma_semaphore, #tpu.memory_space<semaphore_mem>>)
    %add3A_196 = arith.constant 5 : i32
    %add3A_197 = arith.addi %mul3A_32, %add3A_196 : i32
    %mul3A_198 = arith.constant 4096 : i32
    %mul3A_199 = arith.muli %select_n3A, %mul3A_198 : i32
    %dma_start3A_200 = tpu.memref_slice %arg4[%add3A_197, %mul3A_199] : memref<64x32768xf32, #tpu.memory_space<hbm>> -> memref<1x4096xf32, #tpu.memory_space<hbm>>
    %dma_start3A_201 = tpu.memref_squeeze %dma_start3A_200 : memref<1x4096xf32, #tpu.memory_space<hbm>> -> memref<4096xf32, #tpu.memory_space<hbm>>
    %dma_start3A_202 = tpu.memref_slice %arg4[%add3A_197, %mul3A_199] : memref<64x32768xf32, #tpu.memory_space<hbm>> -> memref<1x4096xf32, #tpu.memory_space<hbm>>
    %dma_start3A_203 = tpu.memref_squeeze %dma_start3A_202 : memref<1x4096xf32, #tpu.memory_space<hbm>> -> memref<4096xf32, #tpu.memory_space<hbm>>
    tpu.enqueue_dma source(%arg8 : memref<4096xf32, #tpu.memory_space<vmem>>) target(%dma_start3A_203 : memref<4096xf32, #tpu.memory_space<hbm>>) target_semaphore(%arg11 : memref<!tpu.dma_semaphore, #tpu.memory_space<semaphore_mem>>)
    %dma_wait3A_204 = tpu.memref_slice %arg4[%add3A_168, %mul3A_170] : memref<64x32768xf32, #tpu.memory_space<hbm>> -> memref<1x4096xf32, #tpu.memory_space<hbm>>
    %dma_wait3A_205 = tpu.memref_squeeze %dma_wait3A_204 : memref<1x4096xf32, #tpu.memory_space<hbm>> -> memref<4096xf32, #tpu.memory_space<hbm>>
    %dma_wait3A_206 = tpu.memref_slice %arg4[%add3A_168, %mul3A_170] : memref<64x32768xf32, #tpu.memory_space<hbm>> -> memref<1x4096xf32, #tpu.memory_space<hbm>>
    %dma_wait3A_207 = tpu.memref_squeeze %dma_wait3A_206 : memref<1x4096xf32, #tpu.memory_space<hbm>> -> memref<4096xf32, #tpu.memory_space<hbm>>
    tpu.wait_dma2 semaphore(%arg10 : memref<!tpu.dma_semaphore, #tpu.memory_space<semaphore_mem>>) src(%arg7 : memref<4096xf32, #tpu.memory_space<vmem>>) dst(%dma_wait3A_207 : memref<4096xf32, #tpu.memory_space<hbm>>)
    %dma_wait3A_208 = arith.constant 0 : i32
    %dma_wait3A_209 = tpu.memref_slice %arg3[%select_n3A, %add3A_189, %dma_wait3A_208] : memref<8x64x100000xf32, #tpu.memory_space<hbm>> -> memref<1x1x100000xf32, #tpu.memory_space<hbm>>
    %dma_wait3A_210 = tpu.memref_squeeze %dma_wait3A_209 : memref<1x1x100000xf32, #tpu.memory_space<hbm>> -> memref<100000xf32, #tpu.memory_space<hbm>>
    %dma_wait3A_211 = arith.constant 0 : i32
    %dma_wait3A_212 = tpu.memref_slice %arg3[%select_n3A, %add3A_189, %dma_wait3A_211] : memref<8x64x100000xf32, #tpu.memory_space<hbm>> -> memref<1x1x100000xf32, #tpu.memory_space<hbm>>
    %dma_wait3A_213 = tpu.memref_squeeze %dma_wait3A_212 : memref<1x1x100000xf32, #tpu.memory_space<hbm>> -> memref<100000xf32, #tpu.memory_space<hbm>>
    tpu.wait_dma2 semaphore(%arg9 : memref<!tpu.dma_semaphore, #tpu.memory_space<semaphore_mem>>) src(%dma_wait3A_213 : memref<100000xf32, #tpu.memory_space<hbm>>) dst(%arg6 : memref<100000xf32, #tpu.memory_space<vmem>>)
    %parallel_loop3A_214 = arith.constant 0 : i32
    %parallel_loop3A_215 = arith.constant 256 : i32
    %parallel_loop3A_216 = arith.constant 1 : i32
    scf.for %parallel_loop3A_494 = %parallel_loop3A_214 to %parallel_loop3A_215 step %parallel_loop3A_216  : i32 {
      %parallel_loop3A_495 = arith.constant 16 : i32
      %parallel_loop3A_496 = arith.muli %parallel_loop3A_494, %parallel_loop3A_495 : i32
      %parallel_loop3A_497 = arith.index_cast %parallel_loop3A_496 : i32 to index
      %parallel_loop3A_498 = tpu.vector_load %arg5[%parallel_loop3A_497] {strides = array<i32>} : memref<4096xi32, #tpu.memory_space<vmem>>, vector<16xi32>,
      %parallel_loop3A_499 = tpu.vector_load_idx %arg6[%parallel_loop3A_498] : memref<100000xf32, #tpu.memory_space<vmem>>[vector<16xi32>], vector<16xf32>,
      %parallel_loop3A_500 = arith.index_cast %parallel_loop3A_496 : i32 to index
      %parallel_loop3A_501 = tpu.vector_load %arg7[%parallel_loop3A_500] {strides = array<i32>} : memref<4096xf32, #tpu.memory_space<vmem>>, vector<16xf32>,
      tpu.vector_store %arg7[%parallel_loop3A_500], %parallel_loop3A_499 {strides = array<i32>} : memref<4096xf32, #tpu.memory_space<vmem>>, vector<16xf32>,
    } {sc.loop_unroll_factor = 4 : i64, sc.parallel_access}
    %add3A_217 = arith.constant 7 : i32
    %add3A_218 = arith.addi %mul3A_32, %add3A_217 : i32
    %dma_start3A_219 = arith.constant 0 : i32
    %dma_start3A_220 = tpu.memref_slice %arg3[%select_n3A, %add3A_218, %dma_start3A_219] : memref<8x64x100000xf32, #tpu.memory_space<hbm>> -> memref<1x1x100000xf32, #tpu.memory_space<hbm>>
    %dma_start3A_221 = tpu.memref_squeeze %dma_start3A_220 : memref<1x1x100000xf32, #tpu.memory_space<hbm>> -> memref<100000xf32, #tpu.memory_space<hbm>>
    %dma_start3A_222 = arith.constant 0 : i32
    %dma_start3A_223 = tpu.memref_slice %arg3[%select_n3A, %add3A_218, %dma_start3A_222] : memref<8x64x100000xf32, #tpu.memory_space<hbm>> -> memref<1x1x100000xf32, #tpu.memory_space<hbm>>
    %dma_start3A_224 = tpu.memref_squeeze %dma_start3A_223 : memref<1x1x100000xf32, #tpu.memory_space<hbm>> -> memref<100000xf32, #tpu.memory_space<hbm>>
    tpu.enqueue_dma source(%dma_start3A_224 : memref<100000xf32, #tpu.memory_space<hbm>>) target(%arg6 : memref<100000xf32, #tpu.memory_space<vmem>>) target_semaphore(%arg9 : memref<!tpu.dma_semaphore, #tpu.memory_space<semaphore_mem>>)
    %add3A_225 = arith.constant 6 : i32
    %add3A_226 = arith.addi %mul3A_32, %add3A_225 : i32
    %mul3A_227 = arith.constant 4096 : i32
    %mul3A_228 = arith.muli %select_n3A, %mul3A_227 : i32
    %dma_start3A_229 = tpu.memref_slice %arg4[%add3A_226, %mul3A_228] : memref<64x32768xf32, #tpu.memory_space<hbm>> -> memref<1x4096xf32, #tpu.memory_space<hbm>>
    %dma_start3A_230 = tpu.memref_squeeze %dma_start3A_229 : memref<1x4096xf32, #tpu.memory_space<hbm>> -> memref<4096xf32, #tpu.memory_space<hbm>>
    %dma_start3A_231 = tpu.memref_slice %arg4[%add3A_226, %mul3A_228] : memref<64x32768xf32, #tpu.memory_space<hbm>> -> memref<1x4096xf32, #tpu.memory_space<hbm>>
    %dma_start3A_232 = tpu.memref_squeeze %dma_start3A_231 : memref<1x4096xf32, #tpu.memory_space<hbm>> -> memref<4096xf32, #tpu.memory_space<hbm>>
    tpu.enqueue_dma source(%arg7 : memref<4096xf32, #tpu.memory_space<vmem>>) target(%dma_start3A_232 : memref<4096xf32, #tpu.memory_space<hbm>>) target_semaphore(%arg10 : memref<!tpu.dma_semaphore, #tpu.memory_space<semaphore_mem>>)
    %dma_wait3A_233 = tpu.memref_slice %arg4[%add3A_197, %mul3A_199] : memref<64x32768xf32, #tpu.memory_space<hbm>> -> memref<1x4096xf32, #tpu.memory_space<hbm>>
    %dma_wait3A_234 = tpu.memref_squeeze %dma_wait3A_233 : memref<1x4096xf32, #tpu.memory_space<hbm>> -> memref<4096xf32, #tpu.memory_space<hbm>>
    %dma_wait3A_235 = tpu.memref_slice %arg4[%add3A_197, %mul3A_199] : memref<64x32768xf32, #tpu.memory_space<hbm>> -> memref<1x4096xf32, #tpu.memory_space<hbm>>
    %dma_wait3A_236 = tpu.memref_squeeze %dma_wait3A_235 : memref<1x4096xf32, #tpu.memory_space<hbm>> -> memref<4096xf32, #tpu.memory_space<hbm>>
    tpu.wait_dma2 semaphore(%arg11 : memref<!tpu.dma_semaphore, #tpu.memory_space<semaphore_mem>>) src(%arg8 : memref<4096xf32, #tpu.memory_space<vmem>>) dst(%dma_wait3A_236 : memref<4096xf32, #tpu.memory_space<hbm>>)
    %dma_wait3A_237 = arith.constant 0 : i32
    %dma_wait3A_238 = tpu.memref_slice %arg3[%select_n3A, %add3A_218, %dma_wait3A_237] : memref<8x64x100000xf32, #tpu.memory_space<hbm>> -> memref<1x1x100000xf32, #tpu.memory_space<hbm>>
    %dma_wait3A_239 = tpu.memref_squeeze %dma_wait3A_238 : memref<1x1x100000xf32, #tpu.memory_space<hbm>> -> memref<100000xf32, #tpu.memory_space<hbm>>
    %dma_wait3A_240 = arith.constant 0 : i32
    %dma_wait3A_241 = tpu.memref_slice %arg3[%select_n3A, %add3A_218, %dma_wait3A_240] : memref<8x64x100000xf32, #tpu.memory_space<hbm>> -> memref<1x1x100000xf32, #tpu.memory_space<hbm>>
    %dma_wait3A_242 = tpu.memref_squeeze %dma_wait3A_241 : memref<1x1x100000xf32, #tpu.memory_space<hbm>> -> memref<100000xf32, #tpu.memory_space<hbm>>
    tpu.wait_dma2 semaphore(%arg9 : memref<!tpu.dma_semaphore, #tpu.memory_space<semaphore_mem>>) src(%dma_wait3A_242 : memref<100000xf32, #tpu.memory_space<hbm>>) dst(%arg6 : memref<100000xf32, #tpu.memory_space<vmem>>)
    %parallel_loop3A_243 = arith.constant 0 : i32
    %parallel_loop3A_244 = arith.constant 256 : i32
    %parallel_loop3A_245 = arith.constant 1 : i32
    scf.for %parallel_loop3A_494 = %parallel_loop3A_243 to %parallel_loop3A_244 step %parallel_loop3A_245  : i32 {
      %parallel_loop3A_495 = arith.constant 16 : i32
      %parallel_loop3A_496 = arith.muli %parallel_loop3A_494, %parallel_loop3A_495 : i32
      %parallel_loop3A_497 = arith.index_cast %parallel_loop3A_496 : i32 to index
      %parallel_loop3A_498 = tpu.vector_load %arg5[%parallel_loop3A_497] {strides = array<i32>} : memref<4096xi32, #tpu.memory_space<vmem>>, vector<16xi32>,
      %parallel_loop3A_499 = tpu.vector_load_idx %arg6[%parallel_loop3A_498] : memref<100000xf32, #tpu.memory_space<vmem>>[vector<16xi32>], vector<16xf32>,
      %parallel_loop3A_500 = arith.index_cast %parallel_loop3A_496 : i32 to index
      %parallel_loop3A_501 = tpu.vector_load %arg8[%parallel_loop3A_500] {strides = array<i32>} : memref<4096xf32, #tpu.memory_space<vmem>>, vector<16xf32>,
      tpu.vector_store %arg8[%parallel_loop3A_500], %parallel_loop3A_499 {strides = array<i32>} : memref<4096xf32, #tpu.memory_space<vmem>>, vector<16xf32>,
    } {sc.loop_unroll_factor = 4 : i64, sc.parallel_access}
    %add3A_246 = arith.constant 8 : i32
    %add3A_247 = arith.addi %mul3A_32, %add3A_246 : i32
    %dma_start3A_248 = arith.constant 0 : i32
    %dma_start3A_249 = tpu.memref_slice %arg3[%select_n3A, %add3A_247, %dma_start3A_248] : memref<8x64x100000xf32, #tpu.memory_space<hbm>> -> memref<1x1x100000xf32, #tpu.memory_space<hbm>>
    %dma_start3A_250 = tpu.memref_squeeze %dma_start3A_249 : memref<1x1x100000xf32, #tpu.memory_space<hbm>> -> memref<100000xf32, #tpu.memory_space<hbm>>
    %dma_start3A_251 = arith.constant 0 : i32
    %dma_start3A_252 = tpu.memref_slice %arg3[%select_n3A, %add3A_247, %dma_start3A_251] : memref<8x64x100000xf32, #tpu.memory_space<hbm>> -> memref<1x1x100000xf32, #tpu.memory_space<hbm>>
    %dma_start3A_253 = tpu.memref_squeeze %dma_start3A_252 : memref<1x1x100000xf32, #tpu.memory_space<hbm>> -> memref<100000xf32, #tpu.memory_space<hbm>>
    tpu.enqueue_dma source(%dma_start3A_253 : memref<100000xf32, #tpu.memory_space<hbm>>) target(%arg6 : memref<100000xf32, #tpu.memory_space<vmem>>) target_semaphore(%arg9 : memref<!tpu.dma_semaphore, #tpu.memory_space<semaphore_mem>>)
    %add3A_254 = arith.constant 7 : i32
    %add3A_255 = arith.addi %mul3A_32, %add3A_254 : i32
    %mul3A_256 = arith.constant 4096 : i32
    %mul3A_257 = arith.muli %select_n3A, %mul3A_256 : i32
    %dma_start3A_258 = tpu.memref_slice %arg4[%add3A_255, %mul3A_257] : memref<64x32768xf32, #tpu.memory_space<hbm>> -> memref<1x4096xf32, #tpu.memory_space<hbm>>
    %dma_start3A_259 = tpu.memref_squeeze %dma_start3A_258 : memref<1x4096xf32, #tpu.memory_space<hbm>> -> memref<4096xf32, #tpu.memory_space<hbm>>
    %dma_start3A_260 = tpu.memref_slice %arg4[%add3A_255, %mul3A_257] : memref<64x32768xf32, #tpu.memory_space<hbm>> -> memref<1x4096xf32, #tpu.memory_space<hbm>>
    %dma_start3A_261 = tpu.memref_squeeze %dma_start3A_260 : memref<1x4096xf32, #tpu.memory_space<hbm>> -> memref<4096xf32, #tpu.memory_space<hbm>>
    tpu.enqueue_dma source(%arg8 : memref<4096xf32, #tpu.memory_space<vmem>>) target(%dma_start3A_261 : memref<4096xf32, #tpu.memory_space<hbm>>) target_semaphore(%arg11 : memref<!tpu.dma_semaphore, #tpu.memory_space<semaphore_mem>>)
    %dma_wait3A_262 = tpu.memref_slice %arg4[%add3A_226, %mul3A_228] : memref<64x32768xf32, #tpu.memory_space<hbm>> -> memref<1x4096xf32, #tpu.memory_space<hbm>>
    %dma_wait3A_263 = tpu.memref_squeeze %dma_wait3A_262 : memref<1x4096xf32, #tpu.memory_space<hbm>> -> memref<4096xf32, #tpu.memory_space<hbm>>
    %dma_wait3A_264 = tpu.memref_slice %arg4[%add3A_226, %mul3A_228] : memref<64x32768xf32, #tpu.memory_space<hbm>> -> memref<1x4096xf32, #tpu.memory_space<hbm>>
    %dma_wait3A_265 = tpu.memref_squeeze %dma_wait3A_264 : memref<1x4096xf32, #tpu.memory_space<hbm>> -> memref<4096xf32, #tpu.memory_space<hbm>>
    tpu.wait_dma2 semaphore(%arg10 : memref<!tpu.dma_semaphore, #tpu.memory_space<semaphore_mem>>) src(%arg7 : memref<4096xf32, #tpu.memory_space<vmem>>) dst(%dma_wait3A_265 : memref<4096xf32, #tpu.memory_space<hbm>>)
    %dma_wait3A_266 = arith.constant 0 : i32
    %dma_wait3A_267 = tpu.memref_slice %arg3[%select_n3A, %add3A_247, %dma_wait3A_266] : memref<8x64x100000xf32, #tpu.memory_space<hbm>> -> memref<1x1x100000xf32, #tpu.memory_space<hbm>>
    %dma_wait3A_268 = tpu.memref_squeeze %dma_wait3A_267 : memref<1x1x100000xf32, #tpu.memory_space<hbm>> -> memref<100000xf32, #tpu.memory_space<hbm>>
    %dma_wait3A_269 = arith.constant 0 : i32
    %dma_wait3A_270 = tpu.memref_slice %arg3[%select_n3A, %add3A_247, %dma_wait3A_269] : memref<8x64x100000xf32, #tpu.memory_space<hbm>> -> memref<1x1x100000xf32, #tpu.memory_space<hbm>>
    %dma_wait3A_271 = tpu.memref_squeeze %dma_wait3A_270 : memref<1x1x100000xf32, #tpu.memory_space<hbm>> -> memref<100000xf32, #tpu.memory_space<hbm>>
    tpu.wait_dma2 semaphore(%arg9 : memref<!tpu.dma_semaphore, #tpu.memory_space<semaphore_mem>>) src(%dma_wait3A_271 : memref<100000xf32, #tpu.memory_space<hbm>>) dst(%arg6 : memref<100000xf32, #tpu.memory_space<vmem>>)
    %parallel_loop3A_272 = arith.constant 0 : i32
    %parallel_loop3A_273 = arith.constant 256 : i32
    %parallel_loop3A_274 = arith.constant 1 : i32
    scf.for %parallel_loop3A_494 = %parallel_loop3A_272 to %parallel_loop3A_273 step %parallel_loop3A_274  : i32 {
      %parallel_loop3A_495 = arith.constant 16 : i32
      %parallel_loop3A_496 = arith.muli %parallel_loop3A_494, %parallel_loop3A_495 : i32
      %parallel_loop3A_497 = arith.index_cast %parallel_loop3A_496 : i32 to index
      %parallel_loop3A_498 = tpu.vector_load %arg5[%parallel_loop3A_497] {strides = array<i32>} : memref<4096xi32, #tpu.memory_space<vmem>>, vector<16xi32>,
      %parallel_loop3A_499 = tpu.vector_load_idx %arg6[%parallel_loop3A_498] : memref<100000xf32, #tpu.memory_space<vmem>>[vector<16xi32>], vector<16xf32>,
      %parallel_loop3A_500 = arith.index_cast %parallel_loop3A_496 : i32 to index
      %parallel_loop3A_501 = tpu.vector_load %arg7[%parallel_loop3A_500] {strides = array<i32>} : memref<4096xf32, #tpu.memory_space<vmem>>, vector<16xf32>,
      tpu.vector_store %arg7[%parallel_loop3A_500], %parallel_loop3A_499 {strides = array<i32>} : memref<4096xf32, #tpu.memory_space<vmem>>, vector<16xf32>,
    } {sc.loop_unroll_factor = 4 : i64, sc.parallel_access}
    %add3A_275 = arith.constant 9 : i32
    %add3A_276 = arith.addi %mul3A_32, %add3A_275 : i32
    %dma_start3A_277 = arith.constant 0 : i32
    %dma_start3A_278 = tpu.memref_slice %arg3[%select_n3A, %add3A_276, %dma_start3A_277] : memref<8x64x100000xf32, #tpu.memory_space<hbm>> -> memref<1x1x100000xf32, #tpu.memory_space<hbm>>
    %dma_start3A_279 = tpu.memref_squeeze %dma_start3A_278 : memref<1x1x100000xf32, #tpu.memory_space<hbm>> -> memref<100000xf32, #tpu.memory_space<hbm>>
    %dma_start3A_280 = arith.constant 0 : i32
    %dma_start3A_281 = tpu.memref_slice %arg3[%select_n3A, %add3A_276, %dma_start3A_280] : memref<8x64x100000xf32, #tpu.memory_space<hbm>> -> memref<1x1x100000xf32, #tpu.memory_space<hbm>>
    %dma_start3A_282 = tpu.memref_squeeze %dma_start3A_281 : memref<1x1x100000xf32, #tpu.memory_space<hbm>> -> memref<100000xf32, #tpu.memory_space<hbm>>
    tpu.enqueue_dma source(%dma_start3A_282 : memref<100000xf32, #tpu.memory_space<hbm>>) target(%arg6 : memref<100000xf32, #tpu.memory_space<vmem>>) target_semaphore(%arg9 : memref<!tpu.dma_semaphore, #tpu.memory_space<semaphore_mem>>)
    %add3A_283 = arith.constant 8 : i32
    %add3A_284 = arith.addi %mul3A_32, %add3A_283 : i32
    %mul3A_285 = arith.constant 4096 : i32
    %mul3A_286 = arith.muli %select_n3A, %mul3A_285 : i32
    %dma_start3A_287 = tpu.memref_slice %arg4[%add3A_284, %mul3A_286] : memref<64x32768xf32, #tpu.memory_space<hbm>> -> memref<1x4096xf32, #tpu.memory_space<hbm>>
    %dma_start3A_288 = tpu.memref_squeeze %dma_start3A_287 : memref<1x4096xf32, #tpu.memory_space<hbm>> -> memref<4096xf32, #tpu.memory_space<hbm>>
    %dma_start3A_289 = tpu.memref_slice %arg4[%add3A_284, %mul3A_286] : memref<64x32768xf32, #tpu.memory_space<hbm>> -> memref<1x4096xf32, #tpu.memory_space<hbm>>
    %dma_start3A_290 = tpu.memref_squeeze %dma_start3A_289 : memref<1x4096xf32, #tpu.memory_space<hbm>> -> memref<4096xf32, #tpu.memory_space<hbm>>
    tpu.enqueue_dma source(%arg7 : memref<4096xf32, #tpu.memory_space<vmem>>) target(%dma_start3A_290 : memref<4096xf32, #tpu.memory_space<hbm>>) target_semaphore(%arg10 : memref<!tpu.dma_semaphore, #tpu.memory_space<semaphore_mem>>)
    %dma_wait3A_291 = tpu.memref_slice %arg4[%add3A_255, %mul3A_257] : memref<64x32768xf32, #tpu.memory_space<hbm>> -> memref<1x4096xf32, #tpu.memory_space<hbm>>
    %dma_wait3A_292 = tpu.memref_squeeze %dma_wait3A_291 : memref<1x4096xf32, #tpu.memory_space<hbm>> -> memref<4096xf32, #tpu.memory_space<hbm>>
    %dma_wait3A_293 = tpu.memref_slice %arg4[%add3A_255, %mul3A_257] : memref<64x32768xf32, #tpu.memory_space<hbm>> -> memref<1x4096xf32, #tpu.memory_space<hbm>>
    %dma_wait3A_294 = tpu.memref_squeeze %dma_wait3A_293 : memref<1x4096xf32, #tpu.memory_space<hbm>> -> memref<4096xf32, #tpu.memory_space<hbm>>
    tpu.wait_dma2 semaphore(%arg11 : memref<!tpu.dma_semaphore, #tpu.memory_space<semaphore_mem>>) src(%arg8 : memref<4096xf32, #tpu.memory_space<vmem>>) dst(%dma_wait3A_294 : memref<4096xf32, #tpu.memory_space<hbm>>)
    %dma_wait3A_295 = arith.constant 0 : i32
    %dma_wait3A_296 = tpu.memref_slice %arg3[%select_n3A, %add3A_276, %dma_wait3A_295] : memref<8x64x100000xf32, #tpu.memory_space<hbm>> -> memref<1x1x100000xf32, #tpu.memory_space<hbm>>
    %dma_wait3A_297 = tpu.memref_squeeze %dma_wait3A_296 : memref<1x1x100000xf32, #tpu.memory_space<hbm>> -> memref<100000xf32, #tpu.memory_space<hbm>>
    %dma_wait3A_298 = arith.constant 0 : i32
    %dma_wait3A_299 = tpu.memref_slice %arg3[%select_n3A, %add3A_276, %dma_wait3A_298] : memref<8x64x100000xf32, #tpu.memory_space<hbm>> -> memref<1x1x100000xf32, #tpu.memory_space<hbm>>
    %dma_wait3A_300 = tpu.memref_squeeze %dma_wait3A_299 : memref<1x1x100000xf32, #tpu.memory_space<hbm>> -> memref<100000xf32, #tpu.memory_space<hbm>>
    tpu.wait_dma2 semaphore(%arg9 : memref<!tpu.dma_semaphore, #tpu.memory_space<semaphore_mem>>) src(%dma_wait3A_300 : memref<100000xf32, #tpu.memory_space<hbm>>) dst(%arg6 : memref<100000xf32, #tpu.memory_space<vmem>>)
    %parallel_loop3A_301 = arith.constant 0 : i32
    %parallel_loop3A_302 = arith.constant 256 : i32
    %parallel_loop3A_303 = arith.constant 1 : i32
    scf.for %parallel_loop3A_494 = %parallel_loop3A_301 to %parallel_loop3A_302 step %parallel_loop3A_303  : i32 {
      %parallel_loop3A_495 = arith.constant 16 : i32
      %parallel_loop3A_496 = arith.muli %parallel_loop3A_494, %parallel_loop3A_495 : i32
      %parallel_loop3A_497 = arith.index_cast %parallel_loop3A_496 : i32 to index
      %parallel_loop3A_498 = tpu.vector_load %arg5[%parallel_loop3A_497] {strides = array<i32>} : memref<4096xi32, #tpu.memory_space<vmem>>, vector<16xi32>,
      %parallel_loop3A_499 = tpu.vector_load_idx %arg6[%parallel_loop3A_498] : memref<100000xf32, #tpu.memory_space<vmem>>[vector<16xi32>], vector<16xf32>,
      %parallel_loop3A_500 = arith.index_cast %parallel_loop3A_496 : i32 to index
      %parallel_loop3A_501 = tpu.vector_load %arg8[%parallel_loop3A_500] {strides = array<i32>} : memref<4096xf32, #tpu.memory_space<vmem>>, vector<16xf32>,
      tpu.vector_store %arg8[%parallel_loop3A_500], %parallel_loop3A_499 {strides = array<i32>} : memref<4096xf32, #tpu.memory_space<vmem>>, vector<16xf32>,
    } {sc.loop_unroll_factor = 4 : i64, sc.parallel_access}
    %add3A_304 = arith.constant 10 : i32
    %add3A_305 = arith.addi %mul3A_32, %add3A_304 : i32
    %dma_start3A_306 = arith.constant 0 : i32
    %dma_start3A_307 = tpu.memref_slice %arg3[%select_n3A, %add3A_305, %dma_start3A_306] : memref<8x64x100000xf32, #tpu.memory_space<hbm>> -> memref<1x1x100000xf32, #tpu.memory_space<hbm>>
    %dma_start3A_308 = tpu.memref_squeeze %dma_start3A_307 : memref<1x1x100000xf32, #tpu.memory_space<hbm>> -> memref<100000xf32, #tpu.memory_space<hbm>>
    %dma_start3A_309 = arith.constant 0 : i32
    %dma_start3A_310 = tpu.memref_slice %arg3[%select_n3A, %add3A_305, %dma_start3A_309] : memref<8x64x100000xf32, #tpu.memory_space<hbm>> -> memref<1x1x100000xf32, #tpu.memory_space<hbm>>
    %dma_start3A_311 = tpu.memref_squeeze %dma_start3A_310 : memref<1x1x100000xf32, #tpu.memory_space<hbm>> -> memref<100000xf32, #tpu.memory_space<hbm>>
    tpu.enqueue_dma source(%dma_start3A_311 : memref<100000xf32, #tpu.memory_space<hbm>>) target(%arg6 : memref<100000xf32, #tpu.memory_space<vmem>>) target_semaphore(%arg9 : memref<!tpu.dma_semaphore, #tpu.memory_space<semaphore_mem>>)
    %add3A_312 = arith.constant 9 : i32
    %add3A_313 = arith.addi %mul3A_32, %add3A_312 : i32
    %mul3A_314 = arith.constant 4096 : i32
    %mul3A_315 = arith.muli %select_n3A, %mul3A_314 : i32
    %dma_start3A_316 = tpu.memref_slice %arg4[%add3A_313, %mul3A_315] : memref<64x32768xf32, #tpu.memory_space<hbm>> -> memref<1x4096xf32, #tpu.memory_space<hbm>>
    %dma_start3A_317 = tpu.memref_squeeze %dma_start3A_316 : memref<1x4096xf32, #tpu.memory_space<hbm>> -> memref<4096xf32, #tpu.memory_space<hbm>>
    %dma_start3A_318 = tpu.memref_slice %arg4[%add3A_313, %mul3A_315] : memref<64x32768xf32, #tpu.memory_space<hbm>> -> memref<1x4096xf32, #tpu.memory_space<hbm>>
    %dma_start3A_319 = tpu.memref_squeeze %dma_start3A_318 : memref<1x4096xf32, #tpu.memory_space<hbm>> -> memref<4096xf32, #tpu.memory_space<hbm>>
    tpu.enqueue_dma source(%arg8 : memref<4096xf32, #tpu.memory_space<vmem>>) target(%dma_start3A_319 : memref<4096xf32, #tpu.memory_space<hbm>>) target_semaphore(%arg11 : memref<!tpu.dma_semaphore, #tpu.memory_space<semaphore_mem>>)
    %dma_wait3A_320 = tpu.memref_slice %arg4[%add3A_284, %mul3A_286] : memref<64x32768xf32, #tpu.memory_space<hbm>> -> memref<1x4096xf32, #tpu.memory_space<hbm>>
    %dma_wait3A_321 = tpu.memref_squeeze %dma_wait3A_320 : memref<1x4096xf32, #tpu.memory_space<hbm>> -> memref<4096xf32, #tpu.memory_space<hbm>>
    %dma_wait3A_322 = tpu.memref_slice %arg4[%add3A_284, %mul3A_286] : memref<64x32768xf32, #tpu.memory_space<hbm>> -> memref<1x4096xf32, #tpu.memory_space<hbm>>
    %dma_wait3A_323 = tpu.memref_squeeze %dma_wait3A_322 : memref<1x4096xf32, #tpu.memory_space<hbm>> -> memref<4096xf32, #tpu.memory_space<hbm>>
    tpu.wait_dma2 semaphore(%arg10 : memref<!tpu.dma_semaphore, #tpu.memory_space<semaphore_mem>>) src(%arg7 : memref<4096xf32, #tpu.memory_space<vmem>>) dst(%dma_wait3A_323 : memref<4096xf32, #tpu.memory_space<hbm>>)
    %dma_wait3A_324 = arith.constant 0 : i32
    %dma_wait3A_325 = tpu.memref_slice %arg3[%select_n3A, %add3A_305, %dma_wait3A_324] : memref<8x64x100000xf32, #tpu.memory_space<hbm>> -> memref<1x1x100000xf32, #tpu.memory_space<hbm>>
    %dma_wait3A_326 = tpu.memref_squeeze %dma_wait3A_325 : memref<1x1x100000xf32, #tpu.memory_space<hbm>> -> memref<100000xf32, #tpu.memory_space<hbm>>
    %dma_wait3A_327 = arith.constant 0 : i32
    %dma_wait3A_328 = tpu.memref_slice %arg3[%select_n3A, %add3A_305, %dma_wait3A_327] : memref<8x64x100000xf32, #tpu.memory_space<hbm>> -> memref<1x1x100000xf32, #tpu.memory_space<hbm>>
    %dma_wait3A_329 = tpu.memref_squeeze %dma_wait3A_328 : memref<1x1x100000xf32, #tpu.memory_space<hbm>> -> memref<100000xf32, #tpu.memory_space<hbm>>
    tpu.wait_dma2 semaphore(%arg9 : memref<!tpu.dma_semaphore, #tpu.memory_space<semaphore_mem>>) src(%dma_wait3A_329 : memref<100000xf32, #tpu.memory_space<hbm>>) dst(%arg6 : memref<100000xf32, #tpu.memory_space<vmem>>)
    %parallel_loop3A_330 = arith.constant 0 : i32
    %parallel_loop3A_331 = arith.constant 256 : i32
    %parallel_loop3A_332 = arith.constant 1 : i32
    scf.for %parallel_loop3A_494 = %parallel_loop3A_330 to %parallel_loop3A_331 step %parallel_loop3A_332  : i32 {
      %parallel_loop3A_495 = arith.constant 16 : i32
      %parallel_loop3A_496 = arith.muli %parallel_loop3A_494, %parallel_loop3A_495 : i32
      %parallel_loop3A_497 = arith.index_cast %parallel_loop3A_496 : i32 to index
      %parallel_loop3A_498 = tpu.vector_load %arg5[%parallel_loop3A_497] {strides = array<i32>} : memref<4096xi32, #tpu.memory_space<vmem>>, vector<16xi32>,
      %parallel_loop3A_499 = tpu.vector_load_idx %arg6[%parallel_loop3A_498] : memref<100000xf32, #tpu.memory_space<vmem>>[vector<16xi32>], vector<16xf32>,
      %parallel_loop3A_500 = arith.index_cast %parallel_loop3A_496 : i32 to index
      %parallel_loop3A_501 = tpu.vector_load %arg7[%parallel_loop3A_500] {strides = array<i32>} : memref<4096xf32, #tpu.memory_space<vmem>>, vector<16xf32>,
      tpu.vector_store %arg7[%parallel_loop3A_500], %parallel_loop3A_499 {strides = array<i32>} : memref<4096xf32, #tpu.memory_space<vmem>>, vector<16xf32>,
    } {sc.loop_unroll_factor = 4 : i64, sc.parallel_access}
    %add3A_333 = arith.constant 11 : i32
    %add3A_334 = arith.addi %mul3A_32, %add3A_333 : i32
    %dma_start3A_335 = arith.constant 0 : i32
    %dma_start3A_336 = tpu.memref_slice %arg3[%select_n3A, %add3A_334, %dma_start3A_335] : memref<8x64x100000xf32, #tpu.memory_space<hbm>> -> memref<1x1x100000xf32, #tpu.memory_space<hbm>>
    %dma_start3A_337 = tpu.memref_squeeze %dma_start3A_336 : memref<1x1x100000xf32, #tpu.memory_space<hbm>> -> memref<100000xf32, #tpu.memory_space<hbm>>
    %dma_start3A_338 = arith.constant 0 : i32
    %dma_start3A_339 = tpu.memref_slice %arg3[%select_n3A, %add3A_334, %dma_start3A_338] : memref<8x64x100000xf32, #tpu.memory_space<hbm>> -> memref<1x1x100000xf32, #tpu.memory_space<hbm>>
    %dma_start3A_340 = tpu.memref_squeeze %dma_start3A_339 : memref<1x1x100000xf32, #tpu.memory_space<hbm>> -> memref<100000xf32, #tpu.memory_space<hbm>>
    tpu.enqueue_dma source(%dma_start3A_340 : memref<100000xf32, #tpu.memory_space<hbm>>) target(%arg6 : memref<100000xf32, #tpu.memory_space<vmem>>) target_semaphore(%arg9 : memref<!tpu.dma_semaphore, #tpu.memory_space<semaphore_mem>>)
    %add3A_341 = arith.constant 10 : i32
    %add3A_342 = arith.addi %mul3A_32, %add3A_341 : i32
    %mul3A_343 = arith.constant 4096 : i32
    %mul3A_344 = arith.muli %select_n3A, %mul3A_343 : i32
    %dma_start3A_345 = tpu.memref_slice %arg4[%add3A_342, %mul3A_344] : memref<64x32768xf32, #tpu.memory_space<hbm>> -> memref<1x4096xf32, #tpu.memory_space<hbm>>
    %dma_start3A_346 = tpu.memref_squeeze %dma_start3A_345 : memref<1x4096xf32, #tpu.memory_space<hbm>> -> memref<4096xf32, #tpu.memory_space<hbm>>
    %dma_start3A_347 = tpu.memref_slice %arg4[%add3A_342, %mul3A_344] : memref<64x32768xf32, #tpu.memory_space<hbm>> -> memref<1x4096xf32, #tpu.memory_space<hbm>>
    %dma_start3A_348 = tpu.memref_squeeze %dma_start3A_347 : memref<1x4096xf32, #tpu.memory_space<hbm>> -> memref<4096xf32, #tpu.memory_space<hbm>>
    tpu.enqueue_dma source(%arg7 : memref<4096xf32, #tpu.memory_space<vmem>>) target(%dma_start3A_348 : memref<4096xf32, #tpu.memory_space<hbm>>) target_semaphore(%arg10 : memref<!tpu.dma_semaphore, #tpu.memory_space<semaphore_mem>>)
    %dma_wait3A_349 = tpu.memref_slice %arg4[%add3A_313, %mul3A_315] : memref<64x32768xf32, #tpu.memory_space<hbm>> -> memref<1x4096xf32, #tpu.memory_space<hbm>>
    %dma_wait3A_350 = tpu.memref_squeeze %dma_wait3A_349 : memref<1x4096xf32, #tpu.memory_space<hbm>> -> memref<4096xf32, #tpu.memory_space<hbm>>
    %dma_wait3A_351 = tpu.memref_slice %arg4[%add3A_313, %mul3A_315] : memref<64x32768xf32, #tpu.memory_space<hbm>> -> memref<1x4096xf32, #tpu.memory_space<hbm>>
    %dma_wait3A_352 = tpu.memref_squeeze %dma_wait3A_351 : memref<1x4096xf32, #tpu.memory_space<hbm>> -> memref<4096xf32, #tpu.memory_space<hbm>>
    tpu.wait_dma2 semaphore(%arg11 : memref<!tpu.dma_semaphore, #tpu.memory_space<semaphore_mem>>) src(%arg8 : memref<4096xf32, #tpu.memory_space<vmem>>) dst(%dma_wait3A_352 : memref<4096xf32, #tpu.memory_space<hbm>>)
    %dma_wait3A_353 = arith.constant 0 : i32
    %dma_wait3A_354 = tpu.memref_slice %arg3[%select_n3A, %add3A_334, %dma_wait3A_353] : memref<8x64x100000xf32, #tpu.memory_space<hbm>> -> memref<1x1x100000xf32, #tpu.memory_space<hbm>>
    %dma_wait3A_355 = tpu.memref_squeeze %dma_wait3A_354 : memref<1x1x100000xf32, #tpu.memory_space<hbm>> -> memref<100000xf32, #tpu.memory_space<hbm>>
    %dma_wait3A_356 = arith.constant 0 : i32
    %dma_wait3A_357 = tpu.memref_slice %arg3[%select_n3A, %add3A_334, %dma_wait3A_356] : memref<8x64x100000xf32, #tpu.memory_space<hbm>> -> memref<1x1x100000xf32, #tpu.memory_space<hbm>>
    %dma_wait3A_358 = tpu.memref_squeeze %dma_wait3A_357 : memref<1x1x100000xf32, #tpu.memory_space<hbm>> -> memref<100000xf32, #tpu.memory_space<hbm>>
    tpu.wait_dma2 semaphore(%arg9 : memref<!tpu.dma_semaphore, #tpu.memory_space<semaphore_mem>>) src(%dma_wait3A_358 : memref<100000xf32, #tpu.memory_space<hbm>>) dst(%arg6 : memref<100000xf32, #tpu.memory_space<vmem>>)
    %parallel_loop3A_359 = arith.constant 0 : i32
    %parallel_loop3A_360 = arith.constant 256 : i32
    %parallel_loop3A_361 = arith.constant 1 : i32
    scf.for %parallel_loop3A_494 = %parallel_loop3A_359 to %parallel_loop3A_360 step %parallel_loop3A_361  : i32 {
      %parallel_loop3A_495 = arith.constant 16 : i32
      %parallel_loop3A_496 = arith.muli %parallel_loop3A_494, %parallel_loop3A_495 : i32
      %parallel_loop3A_497 = arith.index_cast %parallel_loop3A_496 : i32 to index
      %parallel_loop3A_498 = tpu.vector_load %arg5[%parallel_loop3A_497] {strides = array<i32>} : memref<4096xi32, #tpu.memory_space<vmem>>, vector<16xi32>,
      %parallel_loop3A_499 = tpu.vector_load_idx %arg6[%parallel_loop3A_498] : memref<100000xf32, #tpu.memory_space<vmem>>[vector<16xi32>], vector<16xf32>,
      %parallel_loop3A_500 = arith.index_cast %parallel_loop3A_496 : i32 to index
      %parallel_loop3A_501 = tpu.vector_load %arg8[%parallel_loop3A_500] {strides = array<i32>} : memref<4096xf32, #tpu.memory_space<vmem>>, vector<16xf32>,
      tpu.vector_store %arg8[%parallel_loop3A_500], %parallel_loop3A_499 {strides = array<i32>} : memref<4096xf32, #tpu.memory_space<vmem>>, vector<16xf32>,
    } {sc.loop_unroll_factor = 4 : i64, sc.parallel_access}
    %add3A_362 = arith.constant 12 : i32
    %add3A_363 = arith.addi %mul3A_32, %add3A_362 : i32
    %dma_start3A_364 = arith.constant 0 : i32
    %dma_start3A_365 = tpu.memref_slice %arg3[%select_n3A, %add3A_363, %dma_start3A_364] : memref<8x64x100000xf32, #tpu.memory_space<hbm>> -> memref<1x1x100000xf32, #tpu.memory_space<hbm>>
    %dma_start3A_366 = tpu.memref_squeeze %dma_start3A_365 : memref<1x1x100000xf32, #tpu.memory_space<hbm>> -> memref<100000xf32, #tpu.memory_space<hbm>>
    %dma_start3A_367 = arith.constant 0 : i32
    %dma_start3A_368 = tpu.memref_slice %arg3[%select_n3A, %add3A_363, %dma_start3A_367] : memref<8x64x100000xf32, #tpu.memory_space<hbm>> -> memref<1x1x100000xf32, #tpu.memory_space<hbm>>
    %dma_start3A_369 = tpu.memref_squeeze %dma_start3A_368 : memref<1x1x100000xf32, #tpu.memory_space<hbm>> -> memref<100000xf32, #tpu.memory_space<hbm>>
    tpu.enqueue_dma source(%dma_start3A_369 : memref<100000xf32, #tpu.memory_space<hbm>>) target(%arg6 : memref<100000xf32, #tpu.memory_space<vmem>>) target_semaphore(%arg9 : memref<!tpu.dma_semaphore, #tpu.memory_space<semaphore_mem>>)
    %add3A_370 = arith.constant 11 : i32
    %add3A_371 = arith.addi %mul3A_32, %add3A_370 : i32
    %mul3A_372 = arith.constant 4096 : i32
    %mul3A_373 = arith.muli %select_n3A, %mul3A_372 : i32
    %dma_start3A_374 = tpu.memref_slice %arg4[%add3A_371, %mul3A_373] : memref<64x32768xf32, #tpu.memory_space<hbm>> -> memref<1x4096xf32, #tpu.memory_space<hbm>>
    %dma_start3A_375 = tpu.memref_squeeze %dma_start3A_374 : memref<1x4096xf32, #tpu.memory_space<hbm>> -> memref<4096xf32, #tpu.memory_space<hbm>>
    %dma_start3A_376 = tpu.memref_slice %arg4[%add3A_371, %mul3A_373] : memref<64x32768xf32, #tpu.memory_space<hbm>> -> memref<1x4096xf32, #tpu.memory_space<hbm>>
    %dma_start3A_377 = tpu.memref_squeeze %dma_start3A_376 : memref<1x4096xf32, #tpu.memory_space<hbm>> -> memref<4096xf32, #tpu.memory_space<hbm>>
    tpu.enqueue_dma source(%arg8 : memref<4096xf32, #tpu.memory_space<vmem>>) target(%dma_start3A_377 : memref<4096xf32, #tpu.memory_space<hbm>>) target_semaphore(%arg11 : memref<!tpu.dma_semaphore, #tpu.memory_space<semaphore_mem>>)
    %dma_wait3A_378 = tpu.memref_slice %arg4[%add3A_342, %mul3A_344] : memref<64x32768xf32, #tpu.memory_space<hbm>> -> memref<1x4096xf32, #tpu.memory_space<hbm>>
    %dma_wait3A_379 = tpu.memref_squeeze %dma_wait3A_378 : memref<1x4096xf32, #tpu.memory_space<hbm>> -> memref<4096xf32, #tpu.memory_space<hbm>>
    %dma_wait3A_380 = tpu.memref_slice %arg4[%add3A_342, %mul3A_344] : memref<64x32768xf32, #tpu.memory_space<hbm>> -> memref<1x4096xf32, #tpu.memory_space<hbm>>
    %dma_wait3A_381 = tpu.memref_squeeze %dma_wait3A_380 : memref<1x4096xf32, #tpu.memory_space<hbm>> -> memref<4096xf32, #tpu.memory_space<hbm>>
    tpu.wait_dma2 semaphore(%arg10 : memref<!tpu.dma_semaphore, #tpu.memory_space<semaphore_mem>>) src(%arg7 : memref<4096xf32, #tpu.memory_space<vmem>>) dst(%dma_wait3A_381 : memref<4096xf32, #tpu.memory_space<hbm>>)
    %dma_wait3A_382 = arith.constant 0 : i32
    %dma_wait3A_383 = tpu.memref_slice %arg3[%select_n3A, %add3A_363, %dma_wait3A_382] : memref<8x64x100000xf32, #tpu.memory_space<hbm>> -> memref<1x1x100000xf32, #tpu.memory_space<hbm>>
    %dma_wait3A_384 = tpu.memref_squeeze %dma_wait3A_383 : memref<1x1x100000xf32, #tpu.memory_space<hbm>> -> memref<100000xf32, #tpu.memory_space<hbm>>
    %dma_wait3A_385 = arith.constant 0 : i32
    %dma_wait3A_386 = tpu.memref_slice %arg3[%select_n3A, %add3A_363, %dma_wait3A_385] : memref<8x64x100000xf32, #tpu.memory_space<hbm>> -> memref<1x1x100000xf32, #tpu.memory_space<hbm>>
    %dma_wait3A_387 = tpu.memref_squeeze %dma_wait3A_386 : memref<1x1x100000xf32, #tpu.memory_space<hbm>> -> memref<100000xf32, #tpu.memory_space<hbm>>
    tpu.wait_dma2 semaphore(%arg9 : memref<!tpu.dma_semaphore, #tpu.memory_space<semaphore_mem>>) src(%dma_wait3A_387 : memref<100000xf32, #tpu.memory_space<hbm>>) dst(%arg6 : memref<100000xf32, #tpu.memory_space<vmem>>)
    %parallel_loop3A_388 = arith.constant 0 : i32
    %parallel_loop3A_389 = arith.constant 256 : i32
    %parallel_loop3A_390 = arith.constant 1 : i32
    scf.for %parallel_loop3A_494 = %parallel_loop3A_388 to %parallel_loop3A_389 step %parallel_loop3A_390  : i32 {
      %parallel_loop3A_495 = arith.constant 16 : i32
      %parallel_loop3A_496 = arith.muli %parallel_loop3A_494, %parallel_loop3A_495 : i32
      %parallel_loop3A_497 = arith.index_cast %parallel_loop3A_496 : i32 to index
      %parallel_loop3A_498 = tpu.vector_load %arg5[%parallel_loop3A_497] {strides = array<i32>} : memref<4096xi32, #tpu.memory_space<vmem>>, vector<16xi32>,
      %parallel_loop3A_499 = tpu.vector_load_idx %arg6[%parallel_loop3A_498] : memref<100000xf32, #tpu.memory_space<vmem>>[vector<16xi32>], vector<16xf32>,
      %parallel_loop3A_500 = arith.index_cast %parallel_loop3A_496 : i32 to index
      %parallel_loop3A_501 = tpu.vector_load %arg7[%parallel_loop3A_500] {strides = array<i32>} : memref<4096xf32, #tpu.memory_space<vmem>>, vector<16xf32>,
      tpu.vector_store %arg7[%parallel_loop3A_500], %parallel_loop3A_499 {strides = array<i32>} : memref<4096xf32, #tpu.memory_space<vmem>>, vector<16xf32>,
    } {sc.loop_unroll_factor = 4 : i64, sc.parallel_access}
    %add3A_391 = arith.constant 13 : i32
    %add3A_392 = arith.addi %mul3A_32, %add3A_391 : i32
    %dma_start3A_393 = arith.constant 0 : i32
    %dma_start3A_394 = tpu.memref_slice %arg3[%select_n3A, %add3A_392, %dma_start3A_393] : memref<8x64x100000xf32, #tpu.memory_space<hbm>> -> memref<1x1x100000xf32, #tpu.memory_space<hbm>>
    %dma_start3A_395 = tpu.memref_squeeze %dma_start3A_394 : memref<1x1x100000xf32, #tpu.memory_space<hbm>> -> memref<100000xf32, #tpu.memory_space<hbm>>
    %dma_start3A_396 = arith.constant 0 : i32
    %dma_start3A_397 = tpu.memref_slice %arg3[%select_n3A, %add3A_392, %dma_start3A_396] : memref<8x64x100000xf32, #tpu.memory_space<hbm>> -> memref<1x1x100000xf32, #tpu.memory_space<hbm>>
    %dma_start3A_398 = tpu.memref_squeeze %dma_start3A_397 : memref<1x1x100000xf32, #tpu.memory_space<hbm>> -> memref<100000xf32, #tpu.memory_space<hbm>>
    tpu.enqueue_dma source(%dma_start3A_398 : memref<100000xf32, #tpu.memory_space<hbm>>) target(%arg6 : memref<100000xf32, #tpu.memory_space<vmem>>) target_semaphore(%arg9 : memref<!tpu.dma_semaphore, #tpu.memory_space<semaphore_mem>>)
    %add3A_399 = arith.constant 12 : i32
    %add3A_400 = arith.addi %mul3A_32, %add3A_399 : i32
    %mul3A_401 = arith.constant 4096 : i32
    %mul3A_402 = arith.muli %select_n3A, %mul3A_401 : i32
    %dma_start3A_403 = tpu.memref_slice %arg4[%add3A_400, %mul3A_402] : memref<64x32768xf32, #tpu.memory_space<hbm>> -> memref<1x4096xf32, #tpu.memory_space<hbm>>
    %dma_start3A_404 = tpu.memref_squeeze %dma_start3A_403 : memref<1x4096xf32, #tpu.memory_space<hbm>> -> memref<4096xf32, #tpu.memory_space<hbm>>
    %dma_start3A_405 = tpu.memref_slice %arg4[%add3A_400, %mul3A_402] : memref<64x32768xf32, #tpu.memory_space<hbm>> -> memref<1x4096xf32, #tpu.memory_space<hbm>>
    %dma_start3A_406 = tpu.memref_squeeze %dma_start3A_405 : memref<1x4096xf32, #tpu.memory_space<hbm>> -> memref<4096xf32, #tpu.memory_space<hbm>>
    tpu.enqueue_dma source(%arg7 : memref<4096xf32, #tpu.memory_space<vmem>>) target(%dma_start3A_406 : memref<4096xf32, #tpu.memory_space<hbm>>) target_semaphore(%arg10 : memref<!tpu.dma_semaphore, #tpu.memory_space<semaphore_mem>>)
    %dma_wait3A_407 = tpu.memref_slice %arg4[%add3A_371, %mul3A_373] : memref<64x32768xf32, #tpu.memory_space<hbm>> -> memref<1x4096xf32, #tpu.memory_space<hbm>>
    %dma_wait3A_408 = tpu.memref_squeeze %dma_wait3A_407 : memref<1x4096xf32, #tpu.memory_space<hbm>> -> memref<4096xf32, #tpu.memory_space<hbm>>
    %dma_wait3A_409 = tpu.memref_slice %arg4[%add3A_371, %mul3A_373] : memref<64x32768xf32, #tpu.memory_space<hbm>> -> memref<1x4096xf32, #tpu.memory_space<hbm>>
    %dma_wait3A_410 = tpu.memref_squeeze %dma_wait3A_409 : memref<1x4096xf32, #tpu.memory_space<hbm>> -> memref<4096xf32, #tpu.memory_space<hbm>>
    tpu.wait_dma2 semaphore(%arg11 : memref<!tpu.dma_semaphore, #tpu.memory_space<semaphore_mem>>) src(%arg8 : memref<4096xf32, #tpu.memory_space<vmem>>) dst(%dma_wait3A_410 : memref<4096xf32, #tpu.memory_space<hbm>>)
    %dma_wait3A_411 = arith.constant 0 : i32
    %dma_wait3A_412 = tpu.memref_slice %arg3[%select_n3A, %add3A_392, %dma_wait3A_411] : memref<8x64x100000xf32, #tpu.memory_space<hbm>> -> memref<1x1x100000xf32, #tpu.memory_space<hbm>>
    %dma_wait3A_413 = tpu.memref_squeeze %dma_wait3A_412 : memref<1x1x100000xf32, #tpu.memory_space<hbm>> -> memref<100000xf32, #tpu.memory_space<hbm>>
    %dma_wait3A_414 = arith.constant 0 : i32
    %dma_wait3A_415 = tpu.memref_slice %arg3[%select_n3A, %add3A_392, %dma_wait3A_414] : memref<8x64x100000xf32, #tpu.memory_space<hbm>> -> memref<1x1x100000xf32, #tpu.memory_space<hbm>>
    %dma_wait3A_416 = tpu.memref_squeeze %dma_wait3A_415 : memref<1x1x100000xf32, #tpu.memory_space<hbm>> -> memref<100000xf32, #tpu.memory_space<hbm>>
    tpu.wait_dma2 semaphore(%arg9 : memref<!tpu.dma_semaphore, #tpu.memory_space<semaphore_mem>>) src(%dma_wait3A_416 : memref<100000xf32, #tpu.memory_space<hbm>>) dst(%arg6 : memref<100000xf32, #tpu.memory_space<vmem>>)
    %parallel_loop3A_417 = arith.constant 0 : i32
    %parallel_loop3A_418 = arith.constant 256 : i32
    %parallel_loop3A_419 = arith.constant 1 : i32
    scf.for %parallel_loop3A_494 = %parallel_loop3A_417 to %parallel_loop3A_418 step %parallel_loop3A_419  : i32 {
      %parallel_loop3A_495 = arith.constant 16 : i32
      %parallel_loop3A_496 = arith.muli %parallel_loop3A_494, %parallel_loop3A_495 : i32
      %parallel_loop3A_497 = arith.index_cast %parallel_loop3A_496 : i32 to index
      %parallel_loop3A_498 = tpu.vector_load %arg5[%parallel_loop3A_497] {strides = array<i32>} : memref<4096xi32, #tpu.memory_space<vmem>>, vector<16xi32>,
      %parallel_loop3A_499 = tpu.vector_load_idx %arg6[%parallel_loop3A_498] : memref<100000xf32, #tpu.memory_space<vmem>>[vector<16xi32>], vector<16xf32>,
      %parallel_loop3A_500 = arith.index_cast %parallel_loop3A_496 : i32 to index
      %parallel_loop3A_501 = tpu.vector_load %arg8[%parallel_loop3A_500] {strides = array<i32>} : memref<4096xf32, #tpu.memory_space<vmem>>, vector<16xf32>,
      tpu.vector_store %arg8[%parallel_loop3A_500], %parallel_loop3A_499 {strides = array<i32>} : memref<4096xf32, #tpu.memory_space<vmem>>, vector<16xf32>,
    } {sc.loop_unroll_factor = 4 : i64, sc.parallel_access}
    %add3A_420 = arith.constant 14 : i32
    %add3A_421 = arith.addi %mul3A_32, %add3A_420 : i32
    %dma_start3A_422 = arith.constant 0 : i32
    %dma_start3A_423 = tpu.memref_slice %arg3[%select_n3A, %add3A_421, %dma_start3A_422] : memref<8x64x100000xf32, #tpu.memory_space<hbm>> -> memref<1x1x100000xf32, #tpu.memory_space<hbm>>
    %dma_start3A_424 = tpu.memref_squeeze %dma_start3A_423 : memref<1x1x100000xf32, #tpu.memory_space<hbm>> -> memref<100000xf32, #tpu.memory_space<hbm>>
    %dma_start3A_425 = arith.constant 0 : i32
    %dma_start3A_426 = tpu.memref_slice %arg3[%select_n3A, %add3A_421, %dma_start3A_425] : memref<8x64x100000xf32, #tpu.memory_space<hbm>> -> memref<1x1x100000xf32, #tpu.memory_space<hbm>>
    %dma_start3A_427 = tpu.memref_squeeze %dma_start3A_426 : memref<1x1x100000xf32, #tpu.memory_space<hbm>> -> memref<100000xf32, #tpu.memory_space<hbm>>
    tpu.enqueue_dma source(%dma_start3A_427 : memref<100000xf32, #tpu.memory_space<hbm>>) target(%arg6 : memref<100000xf32, #tpu.memory_space<vmem>>) target_semaphore(%arg9 : memref<!tpu.dma_semaphore, #tpu.memory_space<semaphore_mem>>)
    %add3A_428 = arith.constant 13 : i32
    %add3A_429 = arith.addi %mul3A_32, %add3A_428 : i32
    %mul3A_430 = arith.constant 4096 : i32
    %mul3A_431 = arith.muli %select_n3A, %mul3A_430 : i32
    %dma_start3A_432 = tpu.memref_slice %arg4[%add3A_429, %mul3A_431] : memref<64x32768xf32, #tpu.memory_space<hbm>> -> memref<1x4096xf32, #tpu.memory_space<hbm>>
    %dma_start3A_433 = tpu.memref_squeeze %dma_start3A_432 : memref<1x4096xf32, #tpu.memory_space<hbm>> -> memref<4096xf32, #tpu.memory_space<hbm>>
    %dma_start3A_434 = tpu.memref_slice %arg4[%add3A_429, %mul3A_431] : memref<64x32768xf32, #tpu.memory_space<hbm>> -> memref<1x4096xf32, #tpu.memory_space<hbm>>
    %dma_start3A_435 = tpu.memref_squeeze %dma_start3A_434 : memref<1x4096xf32, #tpu.memory_space<hbm>> -> memref<4096xf32, #tpu.memory_space<hbm>>
    tpu.enqueue_dma source(%arg8 : memref<4096xf32, #tpu.memory_space<vmem>>) target(%dma_start3A_435 : memref<4096xf32, #tpu.memory_space<hbm>>) target_semaphore(%arg11 : memref<!tpu.dma_semaphore, #tpu.memory_space<semaphore_mem>>)
    %dma_wait3A_436 = tpu.memref_slice %arg4[%add3A_400, %mul3A_402] : memref<64x32768xf32, #tpu.memory_space<hbm>> -> memref<1x4096xf32, #tpu.memory_space<hbm>>
    %dma_wait3A_437 = tpu.memref_squeeze %dma_wait3A_436 : memref<1x4096xf32, #tpu.memory_space<hbm>> -> memref<4096xf32, #tpu.memory_space<hbm>>
    %dma_wait3A_438 = tpu.memref_slice %arg4[%add3A_400, %mul3A_402] : memref<64x32768xf32, #tpu.memory_space<hbm>> -> memref<1x4096xf32, #tpu.memory_space<hbm>>
    %dma_wait3A_439 = tpu.memref_squeeze %dma_wait3A_438 : memref<1x4096xf32, #tpu.memory_space<hbm>> -> memref<4096xf32, #tpu.memory_space<hbm>>
    tpu.wait_dma2 semaphore(%arg10 : memref<!tpu.dma_semaphore, #tpu.memory_space<semaphore_mem>>) src(%arg7 : memref<4096xf32, #tpu.memory_space<vmem>>) dst(%dma_wait3A_439 : memref<4096xf32, #tpu.memory_space<hbm>>)
    %dma_wait3A_440 = arith.constant 0 : i32
    %dma_wait3A_441 = tpu.memref_slice %arg3[%select_n3A, %add3A_421, %dma_wait3A_440] : memref<8x64x100000xf32, #tpu.memory_space<hbm>> -> memref<1x1x100000xf32, #tpu.memory_space<hbm>>
    %dma_wait3A_442 = tpu.memref_squeeze %dma_wait3A_441 : memref<1x1x100000xf32, #tpu.memory_space<hbm>> -> memref<100000xf32, #tpu.memory_space<hbm>>
    %dma_wait3A_443 = arith.constant 0 : i32
    %dma_wait3A_444 = tpu.memref_slice %arg3[%select_n3A, %add3A_421, %dma_wait3A_443] : memref<8x64x100000xf32, #tpu.memory_space<hbm>> -> memref<1x1x100000xf32, #tpu.memory_space<hbm>>
    %dma_wait3A_445 = tpu.memref_squeeze %dma_wait3A_444 : memref<1x1x100000xf32, #tpu.memory_space<hbm>> -> memref<100000xf32, #tpu.memory_space<hbm>>
    tpu.wait_dma2 semaphore(%arg9 : memref<!tpu.dma_semaphore, #tpu.memory_space<semaphore_mem>>) src(%dma_wait3A_445 : memref<100000xf32, #tpu.memory_space<hbm>>) dst(%arg6 : memref<100000xf32, #tpu.memory_space<vmem>>)
    %parallel_loop3A_446 = arith.constant 0 : i32
    %parallel_loop3A_447 = arith.constant 256 : i32
    %parallel_loop3A_448 = arith.constant 1 : i32
    scf.for %parallel_loop3A_494 = %parallel_loop3A_446 to %parallel_loop3A_447 step %parallel_loop3A_448  : i32 {
      %parallel_loop3A_495 = arith.constant 16 : i32
      %parallel_loop3A_496 = arith.muli %parallel_loop3A_494, %parallel_loop3A_495 : i32
      %parallel_loop3A_497 = arith.index_cast %parallel_loop3A_496 : i32 to index
      %parallel_loop3A_498 = tpu.vector_load %arg5[%parallel_loop3A_497] {strides = array<i32>} : memref<4096xi32, #tpu.memory_space<vmem>>, vector<16xi32>,
      %parallel_loop3A_499 = tpu.vector_load_idx %arg6[%parallel_loop3A_498] : memref<100000xf32, #tpu.memory_space<vmem>>[vector<16xi32>], vector<16xf32>,
      %parallel_loop3A_500 = arith.index_cast %parallel_loop3A_496 : i32 to index
      %parallel_loop3A_501 = tpu.vector_load %arg7[%parallel_loop3A_500] {strides = array<i32>} : memref<4096xf32, #tpu.memory_space<vmem>>, vector<16xf32>,
      tpu.vector_store %arg7[%parallel_loop3A_500], %parallel_loop3A_499 {strides = array<i32>} : memref<4096xf32, #tpu.memory_space<vmem>>, vector<16xf32>,
    } {sc.loop_unroll_factor = 4 : i64, sc.parallel_access}
    %add3A_449 = arith.constant 15 : i32
    %add3A_450 = arith.addi %mul3A_32, %add3A_449 : i32
    %dma_start3A_451 = arith.constant 0 : i32
    %dma_start3A_452 = tpu.memref_slice %arg3[%select_n3A, %add3A_450, %dma_start3A_451] : memref<8x64x100000xf32, #tpu.memory_space<hbm>> -> memref<1x1x100000xf32, #tpu.memory_space<hbm>>
    %dma_start3A_453 = tpu.memref_squeeze %dma_start3A_452 : memref<1x1x100000xf32, #tpu.memory_space<hbm>> -> memref<100000xf32, #tpu.memory_space<hbm>>
    %dma_start3A_454 = arith.constant 0 : i32
    %dma_start3A_455 = tpu.memref_slice %arg3[%select_n3A, %add3A_450, %dma_start3A_454] : memref<8x64x100000xf32, #tpu.memory_space<hbm>> -> memref<1x1x100000xf32, #tpu.memory_space<hbm>>
    %dma_start3A_456 = tpu.memref_squeeze %dma_start3A_455 : memref<1x1x100000xf32, #tpu.memory_space<hbm>> -> memref<100000xf32, #tpu.memory_space<hbm>>
    tpu.enqueue_dma source(%dma_start3A_456 : memref<100000xf32, #tpu.memory_space<hbm>>) target(%arg6 : memref<100000xf32, #tpu.memory_space<vmem>>) target_semaphore(%arg9 : memref<!tpu.dma_semaphore, #tpu.memory_space<semaphore_mem>>)
    %add3A_457 = arith.constant 14 : i32
    %add3A_458 = arith.addi %mul3A_32, %add3A_457 : i32
    %mul3A_459 = arith.constant 4096 : i32
    %mul3A_460 = arith.muli %select_n3A, %mul3A_459 : i32
    %dma_start3A_461 = tpu.memref_slice %arg4[%add3A_458, %mul3A_460] : memref<64x32768xf32, #tpu.memory_space<hbm>> -> memref<1x4096xf32, #tpu.memory_space<hbm>>
    %dma_start3A_462 = tpu.memref_squeeze %dma_start3A_461 : memref<1x4096xf32, #tpu.memory_space<hbm>> -> memref<4096xf32, #tpu.memory_space<hbm>>
    %dma_start3A_463 = tpu.memref_slice %arg4[%add3A_458, %mul3A_460] : memref<64x32768xf32, #tpu.memory_space<hbm>> -> memref<1x4096xf32, #tpu.memory_space<hbm>>
    %dma_start3A_464 = tpu.memref_squeeze %dma_start3A_463 : memref<1x4096xf32, #tpu.memory_space<hbm>> -> memref<4096xf32, #tpu.memory_space<hbm>>
    tpu.enqueue_dma source(%arg7 : memref<4096xf32, #tpu.memory_space<vmem>>) target(%dma_start3A_464 : memref<4096xf32, #tpu.memory_space<hbm>>) target_semaphore(%arg10 : memref<!tpu.dma_semaphore, #tpu.memory_space<semaphore_mem>>)
    %dma_wait3A_465 = tpu.memref_slice %arg4[%add3A_429, %mul3A_431] : memref<64x32768xf32, #tpu.memory_space<hbm>> -> memref<1x4096xf32, #tpu.memory_space<hbm>>
    %dma_wait3A_466 = tpu.memref_squeeze %dma_wait3A_465 : memref<1x4096xf32, #tpu.memory_space<hbm>> -> memref<4096xf32, #tpu.memory_space<hbm>>
    %dma_wait3A_467 = tpu.memref_slice %arg4[%add3A_429, %mul3A_431] : memref<64x32768xf32, #tpu.memory_space<hbm>> -> memref<1x4096xf32, #tpu.memory_space<hbm>>
    %dma_wait3A_468 = tpu.memref_squeeze %dma_wait3A_467 : memref<1x4096xf32, #tpu.memory_space<hbm>> -> memref<4096xf32, #tpu.memory_space<hbm>>
    tpu.wait_dma2 semaphore(%arg11 : memref<!tpu.dma_semaphore, #tpu.memory_space<semaphore_mem>>) src(%arg8 : memref<4096xf32, #tpu.memory_space<vmem>>) dst(%dma_wait3A_468 : memref<4096xf32, #tpu.memory_space<hbm>>)
    %dma_wait3A_469 = arith.constant 0 : i32
    %dma_wait3A_470 = tpu.memref_slice %arg3[%select_n3A, %add3A_450, %dma_wait3A_469] : memref<8x64x100000xf32, #tpu.memory_space<hbm>> -> memref<1x1x100000xf32, #tpu.memory_space<hbm>>
    %dma_wait3A_471 = tpu.memref_squeeze %dma_wait3A_470 : memref<1x1x100000xf32, #tpu.memory_space<hbm>> -> memref<100000xf32, #tpu.memory_space<hbm>>
    %dma_wait3A_472 = arith.constant 0 : i32
    %dma_wait3A_473 = tpu.memref_slice %arg3[%select_n3A, %add3A_450, %dma_wait3A_472] : memref<8x64x100000xf32, #tpu.memory_space<hbm>> -> memref<1x1x100000xf32, #tpu.memory_space<hbm>>
    %dma_wait3A_474 = tpu.memref_squeeze %dma_wait3A_473 : memref<1x1x100000xf32, #tpu.memory_space<hbm>> -> memref<100000xf32, #tpu.memory_space<hbm>>
    tpu.wait_dma2 semaphore(%arg9 : memref<!tpu.dma_semaphore, #tpu.memory_space<semaphore_mem>>) src(%dma_wait3A_474 : memref<100000xf32, #tpu.memory_space<hbm>>) dst(%arg6 : memref<100000xf32, #tpu.memory_space<vmem>>)
    %parallel_loop3A_475 = arith.constant 0 : i32
    %parallel_loop3A_476 = arith.constant 256 : i32
    %parallel_loop3A_477 = arith.constant 1 : i32
    scf.for %parallel_loop3A_494 = %parallel_loop3A_475 to %parallel_loop3A_476 step %parallel_loop3A_477  : i32 {
      %parallel_loop3A_495 = arith.constant 16 : i32
      %parallel_loop3A_496 = arith.muli %parallel_loop3A_494, %parallel_loop3A_495 : i32
      %parallel_loop3A_497 = arith.index_cast %parallel_loop3A_496 : i32 to index
      %parallel_loop3A_498 = tpu.vector_load %arg5[%parallel_loop3A_497] {strides = array<i32>} : memref<4096xi32, #tpu.memory_space<vmem>>, vector<16xi32>,
      %parallel_loop3A_499 = tpu.vector_load_idx %arg6[%parallel_loop3A_498] : memref<100000xf32, #tpu.memory_space<vmem>>[vector<16xi32>], vector<16xf32>,
      %parallel_loop3A_500 = arith.index_cast %parallel_loop3A_496 : i32 to index
      %parallel_loop3A_501 = tpu.vector_load %arg8[%parallel_loop3A_500] {strides = array<i32>} : memref<4096xf32, #tpu.memory_space<vmem>>, vector<16xf32>,
      tpu.vector_store %arg8[%parallel_loop3A_500], %parallel_loop3A_499 {strides = array<i32>} : memref<4096xf32, #tpu.memory_space<vmem>>, vector<16xf32>,
    } {sc.loop_unroll_factor = 4 : i64, sc.parallel_access}
    %add3A_478 = arith.constant 15 : i32
    %add3A_479 = arith.addi %mul3A_32, %add3A_478 : i32
    %mul3A_480 = arith.constant 4096 : i32
    %mul3A_481 = arith.muli %select_n3A, %mul3A_480 : i32
    %dma_start3A_482 = tpu.memref_slice %arg4[%add3A_479, %mul3A_481] : memref<64x32768xf32, #tpu.memory_space<hbm>> -> memref<1x4096xf32, #tpu.memory_space<hbm>>
    %dma_start3A_483 = tpu.memref_squeeze %dma_start3A_482 : memref<1x4096xf32, #tpu.memory_space<hbm>> -> memref<4096xf32, #tpu.memory_space<hbm>>
    %dma_start3A_484 = tpu.memref_slice %arg4[%add3A_479, %mul3A_481] : memref<64x32768xf32, #tpu.memory_space<hbm>> -> memref<1x4096xf32, #tpu.memory_space<hbm>>
    %dma_start3A_485 = tpu.memref_squeeze %dma_start3A_484 : memref<1x4096xf32, #tpu.memory_space<hbm>> -> memref<4096xf32, #tpu.memory_space<hbm>>
    tpu.enqueue_dma source(%arg8 : memref<4096xf32, #tpu.memory_space<vmem>>) target(%dma_start3A_485 : memref<4096xf32, #tpu.memory_space<hbm>>) target_semaphore(%arg11 : memref<!tpu.dma_semaphore, #tpu.memory_space<semaphore_mem>>)
    %dma_wait3A_486 = tpu.memref_slice %arg4[%add3A_458, %mul3A_460] : memref<64x32768xf32, #tpu.memory_space<hbm>> -> memref<1x4096xf32, #tpu.memory_space<hbm>>
    %dma_wait3A_487 = tpu.memref_squeeze %dma_wait3A_486 : memref<1x4096xf32, #tpu.memory_space<hbm>> -> memref<4096xf32, #tpu.memory_space<hbm>>
    %dma_wait3A_488 = tpu.memref_slice %arg4[%add3A_458, %mul3A_460] : memref<64x32768xf32, #tpu.memory_space<hbm>> -> memref<1x4096xf32, #tpu.memory_space<hbm>>
    %dma_wait3A_489 = tpu.memref_squeeze %dma_wait3A_488 : memref<1x4096xf32, #tpu.memory_space<hbm>> -> memref<4096xf32, #tpu.memory_space<hbm>>
    tpu.wait_dma2 semaphore(%arg10 : memref<!tpu.dma_semaphore, #tpu.memory_space<semaphore_mem>>) src(%arg7 : memref<4096xf32, #tpu.memory_space<vmem>>) dst(%dma_wait3A_489 : memref<4096xf32, #tpu.memory_space<hbm>>)
    %dma_wait3A_490 = tpu.memref_slice %arg4[%add3A_479, %mul3A_481] : memref<64x32768xf32, #tpu.memory_space<hbm>> -> memref<1x4096xf32, #tpu.memory_space<hbm>>
    %dma_wait3A_491 = tpu.memref_squeeze %dma_wait3A_490 : memref<1x4096xf32, #tpu.memory_space<hbm>> -> memref<4096xf32, #tpu.memory_space<hbm>>
    %dma_wait3A_492 = tpu.memref_slice %arg4[%add3A_479, %mul3A_481] : memref<64x32768xf32, #tpu.memory_space<hbm>> -> memref<1x4096xf32, #tpu.memory_space<hbm>>
    %dma_wait3A_493 = tpu.memref_squeeze %dma_wait3A_492 : memref<1x4096xf32, #tpu.memory_space<hbm>> -> memref<4096xf32, #tpu.memory_space<hbm>>
    tpu.wait_dma2 semaphore(%arg11 : memref<!tpu.dma_semaphore, #tpu.memory_space<semaphore_mem>>) src(%arg8 : memref<4096xf32, #tpu.memory_space<vmem>>) dst(%dma_wait3A_493 : memref<4096xf32, #tpu.memory_space<hbm>>)
    return
  }
}

</mosaic_0001>

<sc_bundles>
// kernel: kernel.3.cloned.1.call-start
scs
__scs_entry_jumppad:
0x0: {  	(pc) =	sbr.rel $0x88, $3  }
0x1: {  	(tag) =	ssettag $0x0;
	lr =	simm.s32 $0x1  }
0x2: {  	[smem:$0x3F9F] =	sst lr;
	_ =	strace $0xD0000000  }
0x3: {  	_ = 	snop  }
0x4: {  	_ = 	snop  }
0x5: {  	_ = 	snop  }
0x6: {  	_ = 	snop  }
0x7: {  	_ = 	snop  }
__scs_overlays_trampoline_lowered:
0x8: {  	[smem:$0x3FAE] =	sst s0  }
0x9: {  	[smem:$0x3FAF] =	sst s1  }
0xa: {  	[smem:$0x3FB0] =	sst s2  }
0xb: {  	[smem:$0x3FB1] =	sst s3  }
0xc: {  	[smem:$0x3FB2] =	sst s4  }
0xd: {  	[smem:$0x3FB3] =	sst s5  }
0xe: {  	[smem:$0x3FB4] =	sst s6  }
0xf: {  	[smem:$0x3FB5] =	sst s7  }
0x10: {  	[smem:$0x3FB6] =	sst s8  }
0x11: {  	[smem:$0x3FB7] =	sst s9;
	s0 =	simm.s32 @!p0 $0x0  }
0x12: {  	s1 =	sld [smem:$0x3F9D];
	s0 =	simm.s32 @p0 $0x1  }
0x13: {  	[smem:$0x3FB8] =	sst s0;
	s0 =	simm.s32 @!p1 $0x0  }
0x14: {  	s2 =	sld [smem:$0x3F9C];
	s0 =	simm.s32 @p1 $0x1  }
0x15: {  	[smem:$0x3FB9] =	sst s0;
	s0 =	simm.s32 @!p2 $0x0  }
0x16: {  	s3 =	sld [smem:$0x3FDB];
	s0 =	simm.s32 @p2 $0x1  }
0x17: {  	s4 =	simm.s32 $0x1BF5;
	[smem:$0x3FBB] =	sst s0  }
0x18: {  	s0 =	sld [smem:$0x3F9E];
	_ =	swait.ge [sflag:s4], $0x0  }
0x19: {  	s7 =	sld [smem:$0x3F9F]  }
0x1a: {  	s8 =	sadd.s32 $0xFFFFE003, lr  }
0x1b: {  	s9 =	sadd.s32 $0xFFFFFEF7, lr;
	s5 =	simm.s32 $0xFFFFFFFF;
	p2 =	slt.u32 s8, $0xFFFFF086  }
0x1c: {  	p1 =	slt.u32 s9, $0xF7A;
	s5 =	simm.s32 @!p2 $0x0  }
0x1d: {  	s5 =	simm.s32 @p1 $0x1;
	p0 =	seq.s32 s7, s2  }
0x1e: {  	s7 =	smul.u32 @!p0 $0xF7A, s2;
	p2 =	seq.s32 @!p0 s5, $0x0  }
0x1f: {  	s9 =	smul.u32 $0xF7A, s1;
	s8 =	simm.s32 @!p0 $0x1BF5;
	p2 =	por !p2, p0  }
0x20: {  	[sflag:s8] =	ssyncset.s32 @!p0 $0xFFFFF086;
	s6 =	sadd.s32 @!p0 s3, s7;
	s7 =	simm.s32 @!p0 $0x108  }
0x21: {  	s3 =	sadd.s32 s3, s9;
	s6 =	sadd.s32 @!p0 $0x88, s6;
	s7 =	simm.s32 @p2 $0x1082  }
0x22: {  	[simem:s7], [sflag:s8] =	dma.local @!p0 [hbm:s6], $0xF7A  }
0x23: {  	s9 =	sor.u32 $0xD0000000, s2;
	s6 =	simm.s32 $0x108;
	_ =	swait.ge @!p0 [sflag:s8], $0x0  }
0x24: {  	s3 =	sadd.s32 $0x88, s3;
	s6 =	simm.s32 @!p1 $0x1082;
	[sflag:s4] =	ssyncset.s32 $0xFFFFF086  }
0x25: {  	[simem:s6], [sflag:s4] =	dma.local [hbm:s3], $0xF7A  }
0x26: {  	[smem:$0x3F9F] =	sst s1;
	(tag) =	ssettag s2;
	_ =	strace s9  }
0x27: {  	s1 =	sld [smem:$0x3FAF]  }
0x28: {  	s2 =	sld [smem:$0x3FB0]  }
0x29: {  	s4 =	sld [smem:$0x3FB2]  }
0x2a: {  	p0 =	seq.s32 s5, $0x0;
	s5 =	sld [smem:$0x3FB3]  }
0x2b: {  	s6 =	sld [smem:$0x3FB4]  }
0x2c: {  	s7 =	sld [smem:$0x3FB5]  }
0x2d: {  	s3 =	simm.s32 $0x108;
	s8 =	sld [smem:$0x3FB6]  }
0x2e: {  	s3 =	simm.s32 @!p0 $0x1082;
	s9 =	sld [smem:$0x3FB7]  }
0x2f: {  	lr =	sadd.s32 s0, s3;
	s0 =	sld [smem:$0x3FAE]  }
0x30: {  	s3 =	sld [smem:$0x3FB1]  }
0x31: {  	[smem:$0x3FBA] =	sst s10  }
0x32: {  	s10 =	sld [smem:$0x3FB8];
	_ =	sdelay $0x3  }
0x33: {  	p0 =	seq.s32 s10, $0x1;
	s10 =	sld [smem:$0x3FBA];
	_ =	sdelay $0x3  }
0x34: {  	[smem:$0x3FBA] =	sst s10  }
0x35: {  	s10 =	sld [smem:$0x3FB9];
	_ =	sdelay $0x3  }
0x36: {  	p1 =	seq.s32 s10, $0x1;
	s10 =	sld [smem:$0x3FBA];
	_ =	sdelay $0x3  }
0x37: {  	[smem:$0x3FBA] =	sst s10  }
0x38: {  	s10 =	sld [smem:$0x3FBB]  }
0x39: {  	_ = 	snop;
	(pc) =	sbr.ind lr, $3  }
0x3a: {  	_ = 	snop  }
0x3b: {  	_ = 	snop  }
0x3c: {  	p2 =	seq.s32 s10, $0x1;
	s10 =	sld [smem:$0x3FBA]  }
0x3d: {  	_ =	shalt  }
0x3e: {  	_ =	shalt  }
0x3f: {  	_ =	shalt  }
0x40: {  	_ =	shalt  }
0x41: {  	_ =	shalt  }
0x42: {  	_ =	shalt  }
0x43: {  	_ =	shalt  }
0x44: {  	_ =	shalt  }
0x45: {  	_ =	shalt  }
0x46: {  	_ =	shalt  }
0x47: {  	_ =	shalt  }
0x48: {  	_ =	shalt  }
0x49: {  	_ =	shalt  }
0x4a: {  	_ =	shalt  }
0x4b: {  	_ =	shalt  }
0x4c: {  	_ =	shalt  }
0x4d: {  	_ =	shalt  }
0x4e: {  	_ =	shalt  }
0x4f: {  	_ =	shalt  }
0x50: {  	_ =	shalt  }
0x51: {  	_ =	shalt  }
0x52: {  	_ =	shalt  }
0x53: {  	_ =	shalt  }
0x54: {  	_ =	shalt  }
0x55: {  	_ =	shalt  }
0x56: {  	_ =	shalt  }
0x57: {  	_ =	shalt  }
0x58: {  	_ =	shalt  }
0x59: {  	_ =	shalt  }
0x5a: {  	_ =	shalt  }
0x5b: {  	_ =	shalt  }
0x5c: {  	_ =	shalt  }
0x5d: {  	_ =	shalt  }
0x5e: {  	_ =	shalt  }
0x5f: {  	_ =	shalt  }
0x60: {  	_ =	shalt  }
0x61: {  	_ =	shalt  }
0x62: {  	_ =	shalt  }
0x63: {  	_ =	shalt  }
0x64: {  	_ =	shalt  }
0x65: {  	_ =	shalt  }
0x66: {  	_ =	shalt  }
0x67: {  	_ =	shalt  }
0x68: {  	_ =	shalt  }
0x69: {  	_ =	shalt  }
0x6a: {  	_ =	shalt  }
0x6b: {  	_ =	shalt  }
0x6c: {  	_ =	shalt  }
0x6d: {  	_ =	shalt  }
0x6e: {  	_ =	shalt  }
0x6f: {  	_ =	shalt  }
0x70: {  	_ =	shalt  }
0x71: {  	_ =	shalt  }
0x72: {  	_ =	shalt  }
0x73: {  	_ =	shalt  }
0x74: {  	_ =	shalt  }
0x75: {  	_ =	shalt  }
0x76: {  	_ =	shalt  }
0x77: {  	_ =	shalt  }
0x78: {  	_ =	shalt  }
0x79: {  	_ =	shalt  }
0x7a: {  	_ =	shalt  }
0x7b: {  	_ =	shalt  }
0x7c: {  	_ =	shalt  }
0x7d: {  	_ =	shalt  }
0x7e: {  	_ =	shalt  }
0x7f: {  	_ =	shalt  }
0x80: {  	_ =	shalt  }
0x81: {  	_ =	shalt  }
0x82: {  	_ =	shalt  }
0x83: {  	_ =	shalt  }
0x84: {  	_ =	shalt  }
0x85: {  	_ =	shalt  }
0x86: {  	_ =	shalt  }
0x87: {  	_ =	shalt  }
.Lfunc_end0:
.L_simem_size_0:
called_computation_lowered:
.L_overlay_start_0:
0x88: {  	s2 =	sld [smem:$0x3FD9]  }
0x89: {  	s3 =	sld [smem:$0x3FFE];
	_ =	sdelay $0x1  }
0x8a: {  	s1 =	srdreg.scid  }
0x8b: {  	s0 =	sand.u32 $0x1, s1  }
0x8c: {  	s18 =	sshll.u32 s0, $0xA;
	s2 =	sadd.s32 s3, s2  }
0x8d: {  	s2 =	sadd.s32 s2, s18  }
0x8e: {  	[smem:$0x3FC6] =	sst s2  }
0x8f: {  	_ = 	snop  }
0x90: {  	s2 =	sld [smem:$0x3FC9]  }
0x91: {  	s19 =	sld [smem:$0x3FC8]  }
0x92: {  	s4 =	sld [smem:$0x3FD0];
	(tm) =	ssettm $0x1  }
0x93: {  	s5 =	sld [smem:$0x3FFB];
	_ =	sdelay $0x3  }
0x94: {  	_ =	strace s5  }
0x95: {  	s5 =	sld [smem:$0x3FFC];
	_ =	sdelay $0x3  }
0x96: {  	_ =	strace s5  }
0x97: {  	s5 =	sld [smem:$0x3FFD];
	_ =	sdelay $0x3  }
0x98: {  	_ =	strace s5  }
0x99: {  	_ =	strace $0x8FFFFFFF  }
0x9a: {  	s20 =	sld [smem:$0x3FDB];
	_ =	sdelay $0x1  }
0x9b: {  	s6 =	simm.s32 $_scs_section_size  }
0x9c: {  	s7 =	simm.s32 $_size__tile_overlayer_lowered;
	s8 =	simm.s32 $_tile_overlayer_lowered  }
0x9d: {  	s23 =	simm.s32 $0x1BFF;
	s22 =	sshll.u32 s8, $0x1;
	s5 =	sadd.s32 s6, s20  }
0x9e: {  	s9 =	simm.s32 $0x0;
	s21 =	sshll.u32 s7, $0x1;
	s7 =	sadd.s32 s22, s5  }
0x9f: {  	[timem:s9], [sflag:s23] =	dma.local [hbm:s7], s21  }
0xa0: {  	_ =	swait.ge [sflag:s23], s21  }
0xa1: {  	s6 =	ssub.s32 $0x0, s21;
	[sflag:s23] =	ssyncset.done $0x0  }
0xa2: {  	[sflag:s23] =	ssyncadd.s32 s6;
	_ =	sdelay $0x1  }
0xa3: {  	s24 =	simm.s32 $0x1B8B  }
0xa4: {  	_ =	swait.ge [sflag:s24], $0x1  }
0xa5: {  	[sflag:s24] =	ssyncset.done $0x0  }
0xa6: {  	s25 =	simm.s32 $0x1B8E;
	[sflag:s24] =	ssyncadd.s32 $0xFFFFFFFF  }
0xa7: {  	s26 =	simm.s32 $execute0_lowered;
	[smem:$0x3FD2] =	sst s25  }
0xa8: {  	s6 =	sshll.u32 s26, $0x1;
	_ =	strace $0x80000046;
	[dreg:$0x1] =	wrdreg $0xFFFFFFFF  }
0xa9: {  	s28 =	simm.s32 $_size_execute0_lowered;
	s5 =	sadd.s32 s5, s6;
	[dreg:$0x0] =	wrdreg $0x0  }
0xaa: {  	s6 =	sshll.u32 s28, $0x1;
	[dreg:$0x2] =	wrdreg s5  }
0xab: {  	[dreg:$0x3] =	wrdreg s6  }
0xac: {  	[dreg:$0x4] =	wrdreg $0xC0  }
0xad: {  	_ =	task [dreg:s9], $0x5FFFF  }
0xae: {  	[dreg:$0x1] =	wrdreg $0xFFFFFFFF  }
0xaf: {  	[dreg:$0x0] =	wrdreg $0x60  }
0xb0: {  	[dreg:$0x2] =	wrdreg s2  }
0xb1: {  	[dreg:$0x3] =	wrdreg s19  }
0xb2: {  	[dreg:$0x4] =	wrdreg s4  }
0xb3: {  	[dreg:$0x5] =	wrdreg $0x9  }
0xb4: {  	_ =	task.clear_ibuf [dreg:s9], $0x6FFFF;
	_ =	strace $0x90000046  }
0xb5: {  	s29 =	simm.s32 $0x9;
	_ =	strace $0x80000048  }
0xb6: {  	_ =	swait.ge [sflag:s29], $0x1  }
0xb7: {  	[sflag:s29] =	ssyncadd.s32 $0xFFFFFFFF  }
0xb8: {  	_ =	strace $0x90000048  }
0xb9: {  	_ =	sfence  }
0xba: {  	s30 =	sld [smem:$0x0];
	_ =	sdelay $0x2  }
0xbb: {  	s31 =	sshll.u32 s1, $0xD;
	s1 =	sshrl.u32 s1, $0x2  }
0xbc: {  	s3 =	sand.u32 $0x4000, s31;
	s1 =	sadd.s32 s1, s30  }
0xbd: {  	s0 =	sor.u32 s3, s0;
	s1 =	sshll.u32 s1, $0x11  }
0xbe: {  	s0 =	sor.u32 s1, s0  }
0xbf: {  	s0 =	sadd.s32 $0x8F2B, s0  }
0xc0: {  	[sflag:s0] =	ssyncadd.remote.s32 $0x1  }
0xc1: {  	_ =	sfence.sel $0xFFFF  }
0xc2: {  	[dreg:$0x0] =	wrdreg $0xFFFFFFFF;
	(pc) =	sbr.abs _section_cstart, $3  }
0xc3: {  	[dreg:$0x1] =	wrdreg $0xFFFFFFFF  }
0xc4: {  	_ =	task.clear_ibuf [dreg:s9], $0x2FFFF;
	_ =	strace $0x9FFFFFFF  }
0xc5: {  	(tm) =	ssettm $0x7FFFFFFF  }
tec
execute0_lowered:
.L_overlay_start_1:
0x0: {  	(tag) =	ssettag $0x1  }
0x1: {  	s4 =	rddreg [dreg:$0x0]  }
0x2: {  	s2 =	stileid.u32;
	s6 =	rddreg [dreg:$0x1]  }
0x3: {  	s0 =	srdreg.scid;
	s7 =	rddreg [dreg:$0x2]  }
0x4: {  	s9 =	simm.s32 $0x0;
	s1 =	sshll.u32 s2, $0x1;
	s0 =	sand.u32 $0x1, s0  }
0x5: {  	s2 =	sshrl.u32 s2, $0x1;
	[smem:$0x7FF] =	sst s9;
	s18 =	sadd.s32 $0x20, s6  }
0x6: {  	s11 =	sadd.s32 $0x30, s6;
	s19 =	sadd.s32 $0x40, s6;
	s20 =	sadd.s32 $0x50, s6  }
0x7: {  	s21 =	sadd.s32 $0x60, s6;
	s22 =	sadd.s32 $0x70, s6;
	s1 =	sand.u32 $0x2, s1  }
0x8: {  	s3 =	smul.u32 $0x61C000, s2;
	s1 =	sor.u32 s0, s1;
	s0 =	ssub.s32 $0x2, s0  }
0x9: {  	s14 =	sshll.u32 s2, $0x4;
	s5 =	smul.u32 $0x187000, s1;
	s8 =	sshrl.u32 s0, $0x1  }
0xa: {  	s2 =	sshll.u32 s2, $0xC;
	s15 =	sshll.u32 s1, $0x10;
	s8 =	ssub.s32 s0, s8  }
0xb: {  	s0 =	sadd.s32 s4, s14;
	s4 =	sor.u32 s2, s15;
	s5 =	sadd.s32 s3, s5  }
0xc: {  	[dreg:$0x5] =	wrdreg s0;
	s17 =	sadd.s32 s7, s4;
	s5 =	sshrl.u32 s5, $0x3  }
0xd: {  	s0 =	sadd.s32 $0x10, s6;
	[dreg:$0x7] =	wrdreg s17;
	s13 =	sadd.s32 s6, s5  }
0xe: {  	s1 =	sshllo.u32 s1, $0x1;
	s16 =	sadd.s32 s5, s0;
	[dreg:$0x4] =	wrdreg s13  }
0xf: {  	s14 =	smul.u32 $0xC3800, s1;
	s10 =	sadd.s32 s5, s18;
	[dreg:$0x6] =	wrdreg s16  }
0x10: {  	s1 =	sshll.u32 s1, $0xF;
	s12 =	sadd.s32 s5, s11;
	[dreg:$0x8] =	wrdreg s10  }
0x11: {  	s3 =	sadd.s32 s3, s14;
	s15 =	sadd.s32 s5, s20;
	[dreg:$0x9] =	wrdreg s12  }
0x12: {  	s14 =	sadd.s32 $0x50, s7;
	s23 =	sadd.s32 s5, s21;
	[dreg:$0xb] =	wrdreg s15  }
0x13: {  	s17 =	sadd.s32 $0x70, s7;
	s24 =	sadd.s32 s5, s22;
	[dreg:$0xc] =	wrdreg s23  }
0x14: {  	s25 =	sshrl.u32 s3, $0x3;
	s13 =	sadd.s32 s5, s19;
	[dreg:$0xd] =	wrdreg s24  }
0x15: {  	s10 =	sadd.s32 $0x10, s7;
	s26 =	sadd.s32 s6, s25;
	[dreg:$0xa] =	wrdreg s13  }
0x16: {  	s16 =	sor.u32 s2, s1;
	s0 =	sadd.s32 s25, s0;
	[dreg:$0xe] =	wrdreg s26  }
0x17: {  	s3 =	sadd.s32 s25, s18;
	s5 =	sadd.s32 s25, s11;
	[dreg:$0xf] =	wrdreg s0  }
0x18: {  	s6 =	sadd.s32 s25, s19;
	s9 =	sadd.s32 s25, s20;
	[dreg:$0x10] =	wrdreg s3  }
0x19: {  	s18 =	sadd.s32 s25, s21;
	s19 =	sadd.s32 s25, s22;
	[dreg:$0x11] =	wrdreg s5  }
0x1a: {  	s11 =	sadd.s32 $0x20, s7;
	s12 =	sadd.s32 $0x30, s7;
	[dreg:$0x12] =	wrdreg s6  }
0x1b: {  	s15 =	sadd.s32 $0x60, s7;
	s24 =	sadd.s32 s4, s14;
	[dreg:$0x13] =	wrdreg s9  }
0x1c: {  	s20 =	sadd.s32 s4, s10;
	s13 =	sadd.s32 $0x40, s7;
	s21 =	sadd.s32 s4, s11  }
0x1d: {  	s22 =	sadd.s32 s4, s12;
	s25 =	sadd.s32 s4, s15;
	s26 =	sadd.s32 s4, s17  }
0x1e: {  	s28 =	sadd.s32 s7, s16;
	s29 =	sadd.s32 s16, s10;
	s31 =	sadd.s32 s16, s11  }
0x1f: {  	s30 =	sadd.s32 s16, s12;
	s1 =	sadd.s32 s16, s14;
	s2 =	sadd.s32 s16, s15  }
0x20: {  	s3 =	sadd.s32 s16, s17;
	s5 =	simm.s32 $0x80;
	s6 =	simm.s32 $0x400  }
0x21: {  	s7 =	simm.s32 $0x1000;
	s9 =	simm.s32 $0x1;
	s10 =	simm.s32 $0x19700  }
0x22: {  	s11 =	simm.s32 $0x1A700;
	s12 =	simm.s32 $0x2;
	s14 =	simm.s32 $0x0  }
0x23: {  	s23 =	sadd.s32 s4, s13;
	s0 =	sadd.s32 s16, s13;
	_ =	strace $0x80000047  }
0x24: {  	s4 =	smax.u32 s8, $0x1;
	s8 =	simm.s32 $0x4;
	s13 =	simm.s32 $0x3  }
.LBB2_1:
0x25: {  	s15 =	rddreg [dreg:$0x4]  }
0x26: {  	[tilespmem:s7], [sflag:$0x1] =	stream.strided.gather [hbm4b:s15+s5], $0x18700, s6, s5, $0x38;
	[tilespmem:$0x1B700] =	vst v63  }
0x27: {  	s17 =	simm.s32 $0x0;
	s16 =	rddreg [dreg:$0x5]  }
0x28: {  	[tilespmem:s17], [sflag:$0x4] =	stream.strided.gather [hbm4b:s16+s5], $0x1000, s6, s5, $0x38;
	[tilespmem:$0x1B700] =	vst v63  }
0x29: {  	_ =	swait.ge [sflag:s8], $0x1000  }
0x2a: {  	[sflag:s8] =	ssyncset.done $0x0  }
0x2b: {  	[sflag:s8] =	ssyncadd.s32 $0xFFFFF000  }
0x2c: {  	_ =	swait.ge [sflag:s9], $0x18700  }
0x2d: {  	[sflag:s9] =	ssyncset.done $0x0  }
0x2e: {  	s16 =	simm.s32 $0x20;
	[sflag:s9] =	ssyncadd.s32 $0xFFFE7900  }
0x2f: {  	v0 =	vld [tilespmem:s16+$0x10];
	_ =	sdelay $0x1  }
0x30: {  	v2 =	vld [tilespmem:s16+$0xFFFFFFE0]  }
0x31: {  	v3 =	vld [tilespmem:s16+$0xFFFFFFF0]  }
0x32: {  	s17 =	simm.s32 $0x60;
	v4 =	vld [tilespmem:s16+$0x0]  }
0x33: {  	v7 =	vld [tilespmem:s17+$0x10]  }
0x34: {  	v1 =	vld [tilespmem:s17+$0xFFFFFFF0]  }
0x35: {  	v6 =	vld [tilespmem:s17+$0xFFFFFFE0]  }
0x36: {  	v8 =	vld.idx.msk [tilespmem:v0+s7+$0x0], $0xffff  }
0x37: {  	v0 =	vld [tilespmem:s17+$0x0]  }
0x38: {  	v5 =	vld.idx.msk [tilespmem:v2+s7+$0x0], $0xffff  }
0x39: {  	v2 =	vld.idx.msk [tilespmem:v3+s7+$0x0], $0xffff  }
0x3a: {  	s15 =	simm.s32 $0x19720;
	v3 =	vld.idx.msk [tilespmem:v4+s7+$0x0], $0xffff  }
0x3b: {  	s16 =	simm.s32 $0x4;
	v4 =	vld.idx.msk [tilespmem:v7+s7+$0x0], $0xffff;
	s17 =	simm.s32 $0xA0;
	[tilespmem:s15+$0x10] =	vst v8  }
.LBB2_2:
0x3c: {  	v7 =	vld [tilespmem:s17+$0x10];
	s16 =	sadd.s32 $0x4, s16  }
0x3d: {  	v8 =	vld [tilespmem:s17+$0xFFFFFFF0];
	p0 =	slt.u32 s16, $0xFC;
	[tilespmem:s15+$0xFFFFFFE0] =	vst v5  }
0x3e: {  	v9 =	vld [tilespmem:s17+$0x0];
	[tilespmem:s15+$0xFFFFFFF0] =	vst v2  }
0x3f: {  	v10 =	vld [tilespmem:s17+$0xFFFFFFE0];
	[tilespmem:s15+$0x0] =	vst v3  }
.Ltmp0:
0x40: {  	s15 =	sadd.s32 $0x40, s15;
	v5 =	vld.idx.msk [tilespmem:v6+s7+$0x0], $0xffff;
	(pc) =	sbr.rel @p0 .LBB2_2-.Ltmp0, $4  }
0x41: {  	v2 =	vld.idx.msk [tilespmem:v1+s7+$0x0], $0xffff;
	[tilespmem:s15+$0x10] =	vst v4  }
0x42: {  	v3 =	vld.idx.msk [tilespmem:v0+s7+$0x0], $0xffff;
	v1 =	vmov v8  }
0x43: {  	v0 =	vmov v9  }
0x44: {  	s17 =	sadd.s32 $0x40, s17;
	v4 =	vld.idx.msk [tilespmem:v7+s7+$0x0], $0xffff;
	v6 =	vmov v10  }
0x45: {  	_ =	sdelay $0x3  }
0x46: {  	v6 =	vld.idx.msk [tilespmem:v6+s7+$0x0], $0xffff  }
0x47: {  	[tilespmem:s15+$0xFFFFFFE0] =	vst v5;
	v1 =	vld.idx.msk [tilespmem:v1+s7+$0x0], $0xffff  }
0x48: {  	v0 =	vld.idx.msk [tilespmem:v0+s7+$0x0], $0xffff;
	[tilespmem:s15+$0xFFFFFFF0] =	vst v2  }
0x49: {  	s16 =	sadd.s32 $0x40, s15;
	[tilespmem:s15+$0x0] =	vst v3  }
0x4a: {  	[tilespmem:s16+$0x10] =	vst v4  }
0x4b: {  	[tilespmem:s16+$0xFFFFFFE0] =	vst v6  }
0x4c: {  	[tilespmem:s16+$0xFFFFFFF0] =	vst v1  }
0x4d: {  	[tilespmem:s16+$0x0] =	vst v0  }
0x4e: {  	s15 =	rddreg [dreg:$0x6]  }
0x4f: {  	[tilespmem:s7], [sflag:$0x1] =	stream.strided.gather [hbm4b:s15+s5], $0x18700, s6, s5, $0x38;
	[tilespmem:$0x1B700] =	vst v63  }
0x50: {  	s17 =	rddreg [dreg:$0x7]  }
0x51: {  	[hbm4b:s17+s5] =	stream.strided.scatter [tilespmem:s10], [sflag:$0x2], $0x1000, s6, s5, $0x38;
	[tilespmem:$0x1B700] =	vst v63  }
0x52: {  	_ =	swait.ge [sflag:s9], $0x18700  }
0x53: {  	[sflag:s9] =	ssyncset.done $0x0  }
0x54: {  	s16 =	simm.s32 $0x20;
	[sflag:s9] =	ssyncadd.s32 $0xFFFE7900  }
0x55: {  	v0 =	vld [tilespmem:s16+$0x10];
	_ =	sdelay $0x1  }
0x56: {  	v2 =	vld [tilespmem:s16+$0xFFFFFFE0]  }
0x57: {  	v3 =	vld [tilespmem:s16+$0xFFFFFFF0]  }
0x58: {  	s17 =	simm.s32 $0x60;
	v4 =	vld [tilespmem:s16+$0x0]  }
0x59: {  	v7 =	vld [tilespmem:s17+$0x10]  }
0x5a: {  	v1 =	vld [tilespmem:s17+$0xFFFFFFF0]  }
0x5b: {  	v6 =	vld [tilespmem:s17+$0xFFFFFFE0]  }
0x5c: {  	v8 =	vld.idx.msk [tilespmem:v0+s7+$0x0], $0xffff  }
0x5d: {  	v0 =	vld [tilespmem:s17+$0x0]  }
0x5e: {  	v5 =	vld.idx.msk [tilespmem:v2+s7+$0x0], $0xffff  }
0x5f: {  	v2 =	vld.idx.msk [tilespmem:v3+s7+$0x0], $0xffff  }
0x60: {  	s15 =	simm.s32 $0x1A720;
	v3 =	vld.idx.msk [tilespmem:v4+s7+$0x0], $0xffff  }
0x61: {  	s16 =	simm.s32 $0x4;
	v4 =	vld.idx.msk [tilespmem:v7+s7+$0x0], $0xffff;
	s17 =	simm.s32 $0xA0;
	[tilespmem:s15+$0x10] =	vst v8  }
.LBB2_4:
0x62: {  	v7 =	vld [tilespmem:s17+$0x10];
	s16 =	sadd.s32 $0x4, s16  }
0x63: {  	v8 =	vld [tilespmem:s17+$0xFFFFFFF0];
	p0 =	slt.u32 s16, $0xFC;
	[tilespmem:s15+$0xFFFFFFE0] =	vst v5  }
0x64: {  	v9 =	vld [tilespmem:s17+$0x0];
	[tilespmem:s15+$0xFFFFFFF0] =	vst v2  }
0x65: {  	v10 =	vld [tilespmem:s17+$0xFFFFFFE0];
	[tilespmem:s15+$0x0] =	vst v3  }
.Ltmp1:
0x66: {  	s15 =	sadd.s32 $0x40, s15;
	v5 =	vld.idx.msk [tilespmem:v6+s7+$0x0], $0xffff;
	(pc) =	sbr.rel @p0 .LBB2_4-.Ltmp1, $4  }
0x67: {  	v2 =	vld.idx.msk [tilespmem:v1+s7+$0x0], $0xffff;
	[tilespmem:s15+$0x10] =	vst v4  }
0x68: {  	v3 =	vld.idx.msk [tilespmem:v0+s7+$0x0], $0xffff;
	v1 =	vmov v8  }
0x69: {  	v0 =	vmov v9  }
0x6a: {  	s17 =	sadd.s32 $0x40, s17;
	v4 =	vld.idx.msk [tilespmem:v7+s7+$0x0], $0xffff;
	v6 =	vmov v10  }
0x6b: {  	_ =	sdelay $0x3  }
0x6c: {  	v6 =	vld.idx.msk [tilespmem:v6+s7+$0x0], $0xffff  }
0x6d: {  	[tilespmem:s15+$0xFFFFFFE0] =	vst v5;
	v1 =	vld.idx.msk [tilespmem:v1+s7+$0x0], $0xffff  }
0x6e: {  	v0 =	vld.idx.msk [tilespmem:v0+s7+$0x0], $0xffff;
	[tilespmem:s15+$0xFFFFFFF0] =	vst v2  }
0x6f: {  	s17 =	sadd.s32 $0x40, s15;
	[tilespmem:s15+$0x0] =	vst v3  }
0x70: {  	[tilespmem:s17+$0x10] =	vst v4  }
0x71: {  	[tilespmem:s17+$0xFFFFFFE0] =	vst v6  }
0x72: {  	[tilespmem:s17+$0xFFFFFFF0] =	vst v1  }
0x73: {  	[tilespmem:s17+$0x0] =	vst v0  }
0x74: {  	s15 =	rddreg [dreg:$0x8]  }
0x75: {  	[tilespmem:s7], [sflag:$0x1] =	stream.strided.gather [hbm4b:s15+s5], $0x18700, s6, s5, $0x38;
	[tilespmem:$0x1B700] =	vst v63  }
0x76: {  	_ = 	snop  }
0x77: {  	[hbm4b:s20+s5] =	stream.strided.scatter [tilespmem:s11], [sflag:$0x3], $0x1000, s6, s5, $0x38;
	[tilespmem:$0x1B700] =	vst v63  }
0x78: {  	_ =	swait.ge [sflag:s12], $0x1000  }
0x79: {  	[sflag:s12] =	ssyncset.done $0x0  }
0x7a: {  	[sflag:s12] =	ssyncadd.s32 $0xFFFFF000  }
0x7b: {  	_ =	swait.ge [sflag:s9], $0x18700  }
0x7c: {  	[sflag:s9] =	ssyncset.done $0x0  }
0x7d: {  	s16 =	simm.s32 $0x20;
	[sflag:s9] =	ssyncadd.s32 $0xFFFE7900  }
0x7e: {  	v0 =	vld [tilespmem:s16+$0x10];
	_ =	sdelay $0x1  }
0x7f: {  	v2 =	vld [tilespmem:s16+$0xFFFFFFE0]  }
0x80: {  	v3 =	vld [tilespmem:s16+$0xFFFFFFF0]  }
0x81: {  	s17 =	simm.s32 $0x60;
	v4 =	vld [tilespmem:s16+$0x0]  }
0x82: {  	v7 =	vld [tilespmem:s17+$0x10]  }
0x83: {  	v1 =	vld [tilespmem:s17+$0xFFFFFFF0]  }
0x84: {  	v6 =	vld [tilespmem:s17+$0xFFFFFFE0]  }
0x85: {  	v8 =	vld.idx.msk [tilespmem:v0+s7+$0x0], $0xffff  }
0x86: {  	v0 =	vld [tilespmem:s17+$0x0]  }
0x87: {  	v5 =	vld.idx.msk [tilespmem:v2+s7+$0x0], $0xffff  }
0x88: {  	v2 =	vld.idx.msk [tilespmem:v3+s7+$0x0], $0xffff  }
0x89: {  	s15 =	simm.s32 $0x19720;
	v3 =	vld.idx.msk [tilespmem:v4+s7+$0x0], $0xffff  }
0x8a: {  	s16 =	simm.s32 $0x4;
	v4 =	vld.idx.msk [tilespmem:v7+s7+$0x0], $0xffff;
	s17 =	simm.s32 $0xA0;
	[tilespmem:s15+$0x10] =	vst v8  }
.LBB2_6:
0x8b: {  	v7 =	vld [tilespmem:s17+$0x10];
	s16 =	sadd.s32 $0x4, s16  }
0x8c: {  	v8 =	vld [tilespmem:s17+$0xFFFFFFF0];
	p0 =	slt.u32 s16, $0xFC;
	[tilespmem:s15+$0xFFFFFFE0] =	vst v5  }
0x8d: {  	v9 =	vld [tilespmem:s17+$0x0];
	[tilespmem:s15+$0xFFFFFFF0] =	vst v2  }
0x8e: {  	v10 =	vld [tilespmem:s17+$0xFFFFFFE0];
	[tilespmem:s15+$0x0] =	vst v3  }
.Ltmp2:
0x8f: {  	s15 =	sadd.s32 $0x40, s15;
	v5 =	vld.idx.msk [tilespmem:v6+s7+$0x0], $0xffff;
	(pc) =	sbr.rel @p0 .LBB2_6-.Ltmp2, $4  }
0x90: {  	v2 =	vld.idx.msk [tilespmem:v1+s7+$0x0], $0xffff;
	[tilespmem:s15+$0x10] =	vst v4  }
0x91: {  	v3 =	vld.idx.msk [tilespmem:v0+s7+$0x0], $0xffff;
	v1 =	vmov v8  }
0x92: {  	v0 =	vmov v9  }
0x93: {  	s17 =	sadd.s32 $0x40, s17;
	v4 =	vld.idx.msk [tilespmem:v7+s7+$0x0], $0xffff;
	v6 =	vmov v10  }
0x94: {  	_ =	sdelay $0x3  }
0x95: {  	v6 =	vld.idx.msk [tilespmem:v6+s7+$0x0], $0xffff  }
0x96: {  	[tilespmem:s15+$0xFFFFFFE0] =	vst v5;
	v1 =	vld.idx.msk [tilespmem:v1+s7+$0x0], $0xffff  }
0x97: {  	v0 =	vld.idx.msk [tilespmem:v0+s7+$0x0], $0xffff;
	[tilespmem:s15+$0xFFFFFFF0] =	vst v2  }
0x98: {  	s17 =	sadd.s32 $0x40, s15;
	[tilespmem:s15+$0x0] =	vst v3  }
0x99: {  	[tilespmem:s17+$0x10] =	vst v4  }
0x9a: {  	[tilespmem:s17+$0xFFFFFFE0] =	vst v6  }
0x9b: {  	[tilespmem:s17+$0xFFFFFFF0] =	vst v1  }
0x9c: {  	[tilespmem:s17+$0x0] =	vst v0  }
0x9d: {  	s15 =	rddreg [dreg:$0x9]  }
0x9e: {  	[tilespmem:s7], [sflag:$0x1] =	stream.strided.gather [hbm4b:s15+s5], $0x18700, s6, s5, $0x38;
	[tilespmem:$0x1B700] =	vst v63  }
0x9f: {  	_ = 	snop  }
0xa0: {  	[hbm4b:s21+s5] =	stream.strided.scatter [tilespmem:s10], [sflag:$0x2], $0x1000, s6, s5, $0x38;
	[tilespmem:$0x1B700] =	vst v63  }
0xa1: {  	_ =	swait.ge [sflag:s13], $0x1000  }
0xa2: {  	[sflag:s13] =	ssyncset.done $0x0  }
0xa3: {  	[sflag:s13] =	ssyncadd.s32 $0xFFFFF000  }
0xa4: {  	_ =	swait.ge [sflag:s9], $0x18700  }
0xa5: {  	[sflag:s9] =	ssyncset.done $0x0  }
0xa6: {  	s16 =	simm.s32 $0x20;
	[sflag:s9] =	ssyncadd.s32 $0xFFFE7900  }
0xa7: {  	v0 =	vld [tilespmem:s16+$0x10];
	_ =	sdelay $0x1  }
0xa8: {  	v2 =	vld [tilespmem:s16+$0xFFFFFFE0]  }
0xa9: {  	v3 =	vld [tilespmem:s16+$0xFFFFFFF0]  }
0xaa: {  	s17 =	simm.s32 $0x60;
	v4 =	vld [tilespmem:s16+$0x0]  }
0xab: {  	v7 =	vld [tilespmem:s17+$0x10]  }
0xac: {  	v1 =	vld [tilespmem:s17+$0xFFFFFFF0]  }
0xad: {  	v6 =	vld [tilespmem:s17+$0xFFFFFFE0]  }
0xae: {  	v8 =	vld.idx.msk [tilespmem:v0+s7+$0x0], $0xffff  }
0xaf: {  	v0 =	vld [tilespmem:s17+$0x0]  }
0xb0: {  	v5 =	vld.idx.msk [tilespmem:v2+s7+$0x0], $0xffff  }
0xb1: {  	v2 =	vld.idx.msk [tilespmem:v3+s7+$0x0], $0xffff  }
0xb2: {  	s15 =	simm.s32 $0x1A720;
	v3 =	vld.idx.msk [tilespmem:v4+s7+$0x0], $0xffff  }
0xb3: {  	s16 =	simm.s32 $0x4;
	v4 =	vld.idx.msk [tilespmem:v7+s7+$0x0], $0xffff;
	s17 =	simm.s32 $0xA0;
	[tilespmem:s15+$0x10] =	vst v8  }
.LBB2_8:
0xb4: {  	v7 =	vld [tilespmem:s17+$0x10];
	s16 =	sadd.s32 $0x4, s16  }
0xb5: {  	v8 =	vld [tilespmem:s17+$0xFFFFFFF0];
	p0 =	slt.u32 s16, $0xFC;
	[tilespmem:s15+$0xFFFFFFE0] =	vst v5  }
0xb6: {  	v9 =	vld [tilespmem:s17+$0x0];
	[tilespmem:s15+$0xFFFFFFF0] =	vst v2  }
0xb7: {  	v10 =	vld [tilespmem:s17+$0xFFFFFFE0];
	[tilespmem:s15+$0x0] =	vst v3  }
.Ltmp3:
0xb8: {  	s15 =	sadd.s32 $0x40, s15;
	v5 =	vld.idx.msk [tilespmem:v6+s7+$0x0], $0xffff;
	(pc) =	sbr.rel @p0 .LBB2_8-.Ltmp3, $4  }
0xb9: {  	v2 =	vld.idx.msk [tilespmem:v1+s7+$0x0], $0xffff;
	[tilespmem:s15+$0x10] =	vst v4  }
0xba: {  	v3 =	vld.idx.msk [tilespmem:v0+s7+$0x0], $0xffff;
	v1 =	vmov v8  }
0xbb: {  	v0 =	vmov v9  }
0xbc: {  	s17 =	sadd.s32 $0x40, s17;
	v4 =	vld.idx.msk [tilespmem:v7+s7+$0x0], $0xffff;
	v6 =	vmov v10  }
0xbd: {  	_ =	sdelay $0x3  }
0xbe: {  	v6 =	vld.idx.msk [tilespmem:v6+s7+$0x0], $0xffff  }
0xbf: {  	[tilespmem:s15+$0xFFFFFFE0] =	vst v5;
	v1 =	vld.idx.msk [tilespmem:v1+s7+$0x0], $0xffff  }
0xc0: {  	v0 =	vld.idx.msk [tilespmem:v0+s7+$0x0], $0xffff;
	[tilespmem:s15+$0xFFFFFFF0] =	vst v2  }
0xc1: {  	s17 =	sadd.s32 $0x40, s15;
	[tilespmem:s15+$0x0] =	vst v3  }
0xc2: {  	[tilespmem:s17+$0x10] =	vst v4  }
0xc3: {  	[tilespmem:s17+$0xFFFFFFE0] =	vst v6  }
0xc4: {  	[tilespmem:s17+$0xFFFFFFF0] =	vst v1  }
0xc5: {  	[tilespmem:s17+$0x0] =	vst v0  }
0xc6: {  	s15 =	rddreg [dreg:$0xa]  }
0xc7: {  	[tilespmem:s7], [sflag:$0x1] =	stream.strided.gather [hbm4b:s15+s5], $0x18700, s6, s5, $0x38;
	[tilespmem:$0x1B700] =	vst v63  }
0xc8: {  	_ = 	snop  }
0xc9: {  	[hbm4b:s22+s5] =	stream.strided.scatter [tilespmem:s11], [sflag:$0x3], $0x1000, s6, s5, $0x38;
	[tilespmem:$0x1B700] =	vst v63  }
0xca: {  	_ =	swait.ge [sflag:s12], $0x1000  }
0xcb: {  	[sflag:s12] =	ssyncset.done $0x0  }
0xcc: {  	[sflag:s12] =	ssyncadd.s32 $0xFFFFF000  }
0xcd: {  	_ =	swait.ge [sflag:s9], $0x18700  }
0xce: {  	[sflag:s9] =	ssyncset.done $0x0  }
0xcf: {  	s16 =	simm.s32 $0x20;
	[sflag:s9] =	ssyncadd.s32 $0xFFFE7900  }
0xd0: {  	v0 =	vld [tilespmem:s16+$0x10];
	_ =	sdelay $0x1  }
0xd1: {  	v2 =	vld [tilespmem:s16+$0xFFFFFFE0]  }
0xd2: {  	v3 =	vld [tilespmem:s16+$0xFFFFFFF0]  }
0xd3: {  	s17 =	simm.s32 $0x60;
	v4 =	vld [tilespmem:s16+$0x0]  }
0xd4: {  	v7 =	vld [tilespmem:s17+$0x10]  }
0xd5: {  	v1 =	vld [tilespmem:s17+$0xFFFFFFF0]  }
0xd6: {  	v6 =	vld [tilespmem:s17+$0xFFFFFFE0]  }
0xd7: {  	v8 =	vld.idx.msk [tilespmem:v0+s7+$0x0], $0xffff  }
0xd8: {  	v0 =	vld [tilespmem:s17+$0x0]  }
0xd9: {  	v5 =	vld.idx.msk [tilespmem:v2+s7+$0x0], $0xffff  }
0xda: {  	v2 =	vld.idx.msk [tilespmem:v3+s7+$0x0], $0xffff  }
0xdb: {  	s15 =	simm.s32 $0x19720;
	v3 =	vld.idx.msk [tilespmem:v4+s7+$0x0], $0xffff  }
0xdc: {  	s16 =	simm.s32 $0x4;
	v4 =	vld.idx.msk [tilespmem:v7+s7+$0x0], $0xffff;
	s17 =	simm.s32 $0xA0;
	[tilespmem:s15+$0x10] =	vst v8  }
.LBB2_10:
0xdd: {  	v7 =	vld [tilespmem:s17+$0x10];
	s16 =	sadd.s32 $0x4, s16  }
0xde: {  	v8 =	vld [tilespmem:s17+$0xFFFFFFF0];
	p0 =	slt.u32 s16, $0xFC;
	[tilespmem:s15+$0xFFFFFFE0] =	vst v5  }
0xdf: {  	v9 =	vld [tilespmem:s17+$0x0];
	[tilespmem:s15+$0xFFFFFFF0] =	vst v2  }
0xe0: {  	v10 =	vld [tilespmem:s17+$0xFFFFFFE0];
	[tilespmem:s15+$0x0] =	vst v3  }
.Ltmp4:
0xe1: {  	s15 =	sadd.s32 $0x40, s15;
	v5 =	vld.idx.msk [tilespmem:v6+s7+$0x0], $0xffff;
	(pc) =	sbr.rel @p0 .LBB2_10-.Ltmp4, $4  }
0xe2: {  	v2 =	vld.idx.msk [tilespmem:v1+s7+$0x0], $0xffff;
	[tilespmem:s15+$0x10] =	vst v4  }
0xe3: {  	v3 =	vld.idx.msk [tilespmem:v0+s7+$0x0], $0xffff;
	v1 =	vmov v8  }
0xe4: {  	v0 =	vmov v9  }
0xe5: {  	s17 =	sadd.s32 $0x40, s17;
	v4 =	vld.idx.msk [tilespmem:v7+s7+$0x0], $0xffff;
	v6 =	vmov v10  }
0xe6: {  	_ =	sdelay $0x3  }
0xe7: {  	v6 =	vld.idx.msk [tilespmem:v6+s7+$0x0], $0xffff  }
0xe8: {  	[tilespmem:s15+$0xFFFFFFE0] =	vst v5;
	v1 =	vld.idx.msk [tilespmem:v1+s7+$0x0], $0xffff  }
0xe9: {  	v0 =	vld.idx.msk [tilespmem:v0+s7+$0x0], $0xffff;
	[tilespmem:s15+$0xFFFFFFF0] =	vst v2  }
0xea: {  	s17 =	sadd.s32 $0x40, s15;
	[tilespmem:s15+$0x0] =	vst v3  }
0xeb: {  	[tilespmem:s17+$0x10] =	vst v4  }
0xec: {  	[tilespmem:s17+$0xFFFFFFE0] =	vst v6  }
0xed: {  	[tilespmem:s17+$0xFFFFFFF0] =	vst v1  }
0xee: {  	[tilespmem:s17+$0x0] =	vst v0  }
0xef: {  	s15 =	rddreg [dreg:$0xb]  }
0xf0: {  	[tilespmem:s7], [sflag:$0x1] =	stream.strided.gather [hbm4b:s15+s5], $0x18700, s6, s5, $0x38;
	[tilespmem:$0x1B700] =	vst v63  }
0xf1: {  	_ = 	snop  }
0xf2: {  	[hbm4b:s23+s5] =	stream.strided.scatter [tilespmem:s10], [sflag:$0x2], $0x1000, s6, s5, $0x38;
	[tilespmem:$0x1B700] =	vst v63  }
0xf3: {  	_ =	swait.ge [sflag:s13], $0x1000  }
0xf4: {  	[sflag:s13] =	ssyncset.done $0x0  }
0xf5: {  	[sflag:s13] =	ssyncadd.s32 $0xFFFFF000  }
0xf6: {  	_ =	swait.ge [sflag:s9], $0x18700  }
0xf7: {  	[sflag:s9] =	ssyncset.done $0x0  }
0xf8: {  	s16 =	simm.s32 $0x20;
	[sflag:s9] =	ssyncadd.s32 $0xFFFE7900  }
0xf9: {  	v0 =	vld [tilespmem:s16+$0x10];
	_ =	sdelay $0x1  }
0xfa: {  	v2 =	vld [tilespmem:s16+$0xFFFFFFE0]  }
0xfb: {  	v3 =	vld [tilespmem:s16+$0xFFFFFFF0]  }
0xfc: {  	s17 =	simm.s32 $0x60;
	v4 =	vld [tilespmem:s16+$0x0]  }
0xfd: {  	v7 =	vld [tilespmem:s17+$0x10]  }
0xfe: {  	v1 =	vld [tilespmem:s17+$0xFFFFFFF0]  }
0xff: {  	v6 =	vld [tilespmem:s17+$0xFFFFFFE0]  }
0x100: {  	v8 =	vld.idx.msk [tilespmem:v0+s7+$0x0], $0xffff  }
0x101: {  	v0 =	vld [tilespmem:s17+$0x0]  }
0x102: {  	v5 =	vld.idx.msk [tilespmem:v2+s7+$0x0], $0xffff  }
0x103: {  	v2 =	vld.idx.msk [tilespmem:v3+s7+$0x0], $0xffff  }
0x104: {  	s15 =	simm.s32 $0x1A720;
	v3 =	vld.idx.msk [tilespmem:v4+s7+$0x0], $0xffff  }
0x105: {  	s16 =	simm.s32 $0x4;
	v4 =	vld.idx.msk [tilespmem:v7+s7+$0x0], $0xffff;
	s17 =	simm.s32 $0xA0;
	[tilespmem:s15+$0x10] =	vst v8  }
.LBB2_12:
0x106: {  	v7 =	vld [tilespmem:s17+$0x10];
	s16 =	sadd.s32 $0x4, s16  }
0x107: {  	v8 =	vld [tilespmem:s17+$0xFFFFFFF0];
	p0 =	slt.u32 s16, $0xFC;
	[tilespmem:s15+$0xFFFFFFE0] =	vst v5  }
0x108: {  	v9 =	vld [tilespmem:s17+$0x0];
	[tilespmem:s15+$0xFFFFFFF0] =	vst v2  }
0x109: {  	v10 =	vld [tilespmem:s17+$0xFFFFFFE0];
	[tilespmem:s15+$0x0] =	vst v3  }
.Ltmp5:
0x10a: {  	s15 =	sadd.s32 $0x40, s15;
	v5 =	vld.idx.msk [tilespmem:v6+s7+$0x0], $0xffff;
	(pc) =	sbr.rel @p0 .LBB2_12-.Ltmp5, $4  }
0x10b: {  	v2 =	vld.idx.msk [tilespmem:v1+s7+$0x0], $0xffff;
	[tilespmem:s15+$0x10] =	vst v4  }
0x10c: {  	v3 =	vld.idx.msk [tilespmem:v0+s7+$0x0], $0xffff;
	v1 =	vmov v8  }
0x10d: {  	v0 =	vmov v9  }
0x10e: {  	s17 =	sadd.s32 $0x40, s17;
	v4 =	vld.idx.msk [tilespmem:v7+s7+$0x0], $0xffff;
	v6 =	vmov v10  }
0x10f: {  	_ =	sdelay $0x3  }
0x110: {  	v6 =	vld.idx.msk [tilespmem:v6+s7+$0x0], $0xffff  }
0x111: {  	[tilespmem:s15+$0xFFFFFFE0] =	vst v5;
	v1 =	vld.idx.msk [tilespmem:v1+s7+$0x0], $0xffff  }
0x112: {  	v0 =	vld.idx.msk [tilespmem:v0+s7+$0x0], $0xffff;
	[tilespmem:s15+$0xFFFFFFF0] =	vst v2  }
0x113: {  	s17 =	sadd.s32 $0x40, s15;
	[tilespmem:s15+$0x0] =	vst v3  }
0x114: {  	[tilespmem:s17+$0x10] =	vst v4  }
0x115: {  	[tilespmem:s17+$0xFFFFFFE0] =	vst v6  }
0x116: {  	[tilespmem:s17+$0xFFFFFFF0] =	vst v1  }
0x117: {  	[tilespmem:s17+$0x0] =	vst v0  }
0x118: {  	s15 =	rddreg [dreg:$0xc]  }
0x119: {  	[tilespmem:s7], [sflag:$0x1] =	stream.strided.gather [hbm4b:s15+s5], $0x18700, s6, s5, $0x38;
	[tilespmem:$0x1B700] =	vst v63  }
0x11a: {  	_ = 	snop  }
0x11b: {  	[hbm4b:s24+s5] =	stream.strided.scatter [tilespmem:s11], [sflag:$0x3], $0x1000, s6, s5, $0x38;
	[tilespmem:$0x1B700] =	vst v63  }
0x11c: {  	_ =	swait.ge [sflag:s12], $0x1000  }
0x11d: {  	[sflag:s12] =	ssyncset.done $0x0  }
0x11e: {  	[sflag:s12] =	ssyncadd.s32 $0xFFFFF000  }
0x11f: {  	_ =	swait.ge [sflag:s9], $0x18700  }
0x120: {  	[sflag:s9] =	ssyncset.done $0x0  }
0x121: {  	s16 =	simm.s32 $0x20;
	[sflag:s9] =	ssyncadd.s32 $0xFFFE7900  }
0x122: {  	v0 =	vld [tilespmem:s16+$0x10];
	_ =	sdelay $0x1  }
0x123: {  	v2 =	vld [tilespmem:s16+$0xFFFFFFE0]  }
0x124: {  	v3 =	vld [tilespmem:s16+$0xFFFFFFF0]  }
0x125: {  	s17 =	simm.s32 $0x60;
	v4 =	vld [tilespmem:s16+$0x0]  }
0x126: {  	v7 =	vld [tilespmem:s17+$0x10]  }
0x127: {  	v1 =	vld [tilespmem:s17+$0xFFFFFFF0]  }
0x128: {  	v6 =	vld [tilespmem:s17+$0xFFFFFFE0]  }
0x129: {  	v8 =	vld.idx.msk [tilespmem:v0+s7+$0x0], $0xffff  }
0x12a: {  	v0 =	vld [tilespmem:s17+$0x0]  }
0x12b: {  	v5 =	vld.idx.msk [tilespmem:v2+s7+$0x0], $0xffff  }
0x12c: {  	v2 =	vld.idx.msk [tilespmem:v3+s7+$0x0], $0xffff  }
0x12d: {  	s15 =	simm.s32 $0x19720;
	v3 =	vld.idx.msk [tilespmem:v4+s7+$0x0], $0xffff  }
0x12e: {  	s16 =	simm.s32 $0x4;
	v4 =	vld.idx.msk [tilespmem:v7+s7+$0x0], $0xffff;
	s17 =	simm.s32 $0xA0;
	[tilespmem:s15+$0x10] =	vst v8  }
.LBB2_14:
0x12f: {  	v7 =	vld [tilespmem:s17+$0x10];
	s16 =	sadd.s32 $0x4, s16  }
0x130: {  	v8 =	vld [tilespmem:s17+$0xFFFFFFF0];
	p0 =	slt.u32 s16, $0xFC;
	[tilespmem:s15+$0xFFFFFFE0] =	vst v5  }
0x131: {  	v9 =	vld [tilespmem:s17+$0x0];
	[tilespmem:s15+$0xFFFFFFF0] =	vst v2  }
0x132: {  	v10 =	vld [tilespmem:s17+$0xFFFFFFE0];
	[tilespmem:s15+$0x0] =	vst v3  }
.Ltmp6:
0x133: {  	s15 =	sadd.s32 $0x40, s15;
	v5 =	vld.idx.msk [tilespmem:v6+s7+$0x0], $0xffff;
	(pc) =	sbr.rel @p0 .LBB2_14-.Ltmp6, $4  }
0x134: {  	v2 =	vld.idx.msk [tilespmem:v1+s7+$0x0], $0xffff;
	[tilespmem:s15+$0x10] =	vst v4  }
0x135: {  	v3 =	vld.idx.msk [tilespmem:v0+s7+$0x0], $0xffff;
	v1 =	vmov v8  }
0x136: {  	v0 =	vmov v9  }
0x137: {  	s17 =	sadd.s32 $0x40, s17;
	v4 =	vld.idx.msk [tilespmem:v7+s7+$0x0], $0xffff;
	v6 =	vmov v10  }
0x138: {  	_ =	sdelay $0x3  }
0x139: {  	v6 =	vld.idx.msk [tilespmem:v6+s7+$0x0], $0xffff  }
0x13a: {  	[tilespmem:s15+$0xFFFFFFE0] =	vst v5;
	v1 =	vld.idx.msk [tilespmem:v1+s7+$0x0], $0xffff  }
0x13b: {  	v0 =	vld.idx.msk [tilespmem:v0+s7+$0x0], $0xffff;
	[tilespmem:s15+$0xFFFFFFF0] =	vst v2  }
0x13c: {  	s17 =	sadd.s32 $0x40, s15;
	[tilespmem:s15+$0x0] =	vst v3  }
0x13d: {  	[tilespmem:s17+$0x10] =	vst v4  }
0x13e: {  	[tilespmem:s17+$0xFFFFFFE0] =	vst v6  }
0x13f: {  	[tilespmem:s17+$0xFFFFFFF0] =	vst v1  }
0x140: {  	[tilespmem:s17+$0x0] =	vst v0  }
0x141: {  	s15 =	rddreg [dreg:$0xd]  }
0x142: {  	[tilespmem:s7], [sflag:$0x1] =	stream.strided.gather [hbm4b:s15+s5], $0x18700, s6, s5, $0x38;
	[tilespmem:$0x1B700] =	vst v63  }
0x143: {  	_ = 	snop  }
0x144: {  	[hbm4b:s25+s5] =	stream.strided.scatter [tilespmem:s10], [sflag:$0x2], $0x1000, s6, s5, $0x38;
	[tilespmem:$0x1B700] =	vst v63  }
0x145: {  	_ =	swait.ge [sflag:s13], $0x1000  }
0x146: {  	[sflag:s13] =	ssyncset.done $0x0  }
0x147: {  	[sflag:s13] =	ssyncadd.s32 $0xFFFFF000  }
0x148: {  	_ =	swait.ge [sflag:s9], $0x18700  }
0x149: {  	[sflag:s9] =	ssyncset.done $0x0  }
0x14a: {  	s16 =	simm.s32 $0x20;
	[sflag:s9] =	ssyncadd.s32 $0xFFFE7900  }
0x14b: {  	v0 =	vld [tilespmem:s16+$0x10];
	_ =	sdelay $0x1  }
0x14c: {  	v2 =	vld [tilespmem:s16+$0xFFFFFFE0]  }
0x14d: {  	v3 =	vld [tilespmem:s16+$0xFFFFFFF0]  }
0x14e: {  	s17 =	simm.s32 $0x60;
	v4 =	vld [tilespmem:s16+$0x0]  }
0x14f: {  	v7 =	vld [tilespmem:s17+$0x10]  }
0x150: {  	v1 =	vld [tilespmem:s17+$0xFFFFFFF0]  }
0x151: {  	v6 =	vld [tilespmem:s17+$0xFFFFFFE0]  }
0x152: {  	v8 =	vld.idx.msk [tilespmem:v0+s7+$0x0], $0xffff  }
0x153: {  	v0 =	vld [tilespmem:s17+$0x0]  }
0x154: {  	v5 =	vld.idx.msk [tilespmem:v2+s7+$0x0], $0xffff  }
0x155: {  	v2 =	vld.idx.msk [tilespmem:v3+s7+$0x0], $0xffff  }
0x156: {  	s15 =	simm.s32 $0x1A720;
	v3 =	vld.idx.msk [tilespmem:v4+s7+$0x0], $0xffff  }
0x157: {  	s16 =	simm.s32 $0x4;
	v4 =	vld.idx.msk [tilespmem:v7+s7+$0x0], $0xffff;
	s17 =	simm.s32 $0xA0;
	[tilespmem:s15+$0x10] =	vst v8  }
.LBB2_16:
0x158: {  	v7 =	vld [tilespmem:s17+$0x10];
	s16 =	sadd.s32 $0x4, s16  }
0x159: {  	v8 =	vld [tilespmem:s17+$0xFFFFFFF0];
	p0 =	slt.u32 s16, $0xFC;
	[tilespmem:s15+$0xFFFFFFE0] =	vst v5  }
0x15a: {  	v9 =	vld [tilespmem:s17+$0x0];
	[tilespmem:s15+$0xFFFFFFF0] =	vst v2  }
0x15b: {  	v10 =	vld [tilespmem:s17+$0xFFFFFFE0];
	[tilespmem:s15+$0x0] =	vst v3  }
.Ltmp7:
0x15c: {  	s15 =	sadd.s32 $0x40, s15;
	v5 =	vld.idx.msk [tilespmem:v6+s7+$0x0], $0xffff;
	(pc) =	sbr.rel @p0 .LBB2_16-.Ltmp7, $4  }
0x15d: {  	v2 =	vld.idx.msk [tilespmem:v1+s7+$0x0], $0xffff;
	[tilespmem:s15+$0x10] =	vst v4  }
0x15e: {  	v3 =	vld.idx.msk [tilespmem:v0+s7+$0x0], $0xffff;
	v1 =	vmov v8  }
0x15f: {  	v0 =	vmov v9  }
0x160: {  	s17 =	sadd.s32 $0x40, s17;
	v4 =	vld.idx.msk [tilespmem:v7+s7+$0x0], $0xffff;
	v6 =	vmov v10  }
0x161: {  	_ =	sdelay $0x3  }
0x162: {  	v6 =	vld.idx.msk [tilespmem:v6+s7+$0x0], $0xffff  }
0x163: {  	[tilespmem:s15+$0xFFFFFFE0] =	vst v5;
	v1 =	vld.idx.msk [tilespmem:v1+s7+$0x0], $0xffff  }
0x164: {  	v0 =	vld.idx.msk [tilespmem:v0+s7+$0x0], $0xffff;
	[tilespmem:s15+$0xFFFFFFF0] =	vst v2  }
0x165: {  	s17 =	sadd.s32 $0x40, s15;
	[tilespmem:s15+$0x0] =	vst v3  }
0x166: {  	[tilespmem:s17+$0x10] =	vst v4  }
0x167: {  	[tilespmem:s17+$0xFFFFFFE0] =	vst v6  }
0x168: {  	[tilespmem:s17+$0xFFFFFFF0] =	vst v1  }
0x169: {  	[tilespmem:s17+$0x0] =	vst v0  }
0x16a: {  	s15 =	rddreg [dreg:$0xe]  }
0x16b: {  	[tilespmem:s7], [sflag:$0x1] =	stream.strided.gather [hbm4b:s15+s5], $0x18700, s6, s5, $0x38;
	[tilespmem:$0x1B700] =	vst v63  }
0x16c: {  	_ = 	snop  }
0x16d: {  	[hbm4b:s26+s5] =	stream.strided.scatter [tilespmem:s11], [sflag:$0x3], $0x1000, s6, s5, $0x38;
	[tilespmem:$0x1B700] =	vst v63  }
0x16e: {  	_ =	swait.ge [sflag:s12], $0x1000  }
0x16f: {  	[sflag:s12] =	ssyncset.done $0x0  }
0x170: {  	[sflag:s12] =	ssyncadd.s32 $0xFFFFF000  }
0x171: {  	_ =	swait.ge [sflag:s9], $0x18700  }
0x172: {  	[sflag:s9] =	ssyncset.done $0x0  }
0x173: {  	s16 =	simm.s32 $0x20;
	[sflag:s9] =	ssyncadd.s32 $0xFFFE7900  }
0x174: {  	v0 =	vld [tilespmem:s16+$0x10];
	_ =	sdelay $0x1  }
0x175: {  	v2 =	vld [tilespmem:s16+$0xFFFFFFE0]  }
0x176: {  	v3 =	vld [tilespmem:s16+$0xFFFFFFF0]  }
0x177: {  	s17 =	simm.s32 $0x60;
	v4 =	vld [tilespmem:s16+$0x0]  }
0x178: {  	v7 =	vld [tilespmem:s17+$0x10]  }
0x179: {  	v1 =	vld [tilespmem:s17+$0xFFFFFFF0]  }
0x17a: {  	v6 =	vld [tilespmem:s17+$0xFFFFFFE0]  }
0x17b: {  	v8 =	vld.idx.msk [tilespmem:v0+s7+$0x0], $0xffff  }
0x17c: {  	v0 =	vld [tilespmem:s17+$0x0]  }
0x17d: {  	v5 =	vld.idx.msk [tilespmem:v2+s7+$0x0], $0xffff  }
0x17e: {  	v2 =	vld.idx.msk [tilespmem:v3+s7+$0x0], $0xffff  }
0x17f: {  	s15 =	simm.s32 $0x19720;
	v3 =	vld.idx.msk [tilespmem:v4+s7+$0x0], $0xffff  }
0x180: {  	s16 =	simm.s32 $0x4;
	v4 =	vld.idx.msk [tilespmem:v7+s7+$0x0], $0xffff;
	s17 =	simm.s32 $0xA0;
	[tilespmem:s15+$0x10] =	vst v8  }
.LBB2_18:
0x181: {  	v7 =	vld [tilespmem:s17+$0x10];
	s16 =	sadd.s32 $0x4, s16  }
0x182: {  	v8 =	vld [tilespmem:s17+$0xFFFFFFF0];
	p0 =	slt.u32 s16, $0xFC;
	[tilespmem:s15+$0xFFFFFFE0] =	vst v5  }
0x183: {  	v9 =	vld [tilespmem:s17+$0x0];
	[tilespmem:s15+$0xFFFFFFF0] =	vst v2  }
0x184: {  	v10 =	vld [tilespmem:s17+$0xFFFFFFE0];
	[tilespmem:s15+$0x0] =	vst v3  }
.Ltmp8:
0x185: {  	s15 =	sadd.s32 $0x40, s15;
	v5 =	vld.idx.msk [tilespmem:v6+s7+$0x0], $0xffff;
	(pc) =	sbr.rel @p0 .LBB2_18-.Ltmp8, $4  }
0x186: {  	v2 =	vld.idx.msk [tilespmem:v1+s7+$0x0], $0xffff;
	[tilespmem:s15+$0x10] =	vst v4  }
0x187: {  	v3 =	vld.idx.msk [tilespmem:v0+s7+$0x0], $0xffff;
	v1 =	vmov v8  }
0x188: {  	v0 =	vmov v9  }
0x189: {  	s17 =	sadd.s32 $0x40, s17;
	v4 =	vld.idx.msk [tilespmem:v7+s7+$0x0], $0xffff;
	v6 =	vmov v10  }
0x18a: {  	_ =	sdelay $0x3  }
0x18b: {  	v6 =	vld.idx.msk [tilespmem:v6+s7+$0x0], $0xffff  }
0x18c: {  	[tilespmem:s15+$0xFFFFFFE0] =	vst v5;
	v1 =	vld.idx.msk [tilespmem:v1+s7+$0x0], $0xffff  }
0x18d: {  	v0 =	vld.idx.msk [tilespmem:v0+s7+$0x0], $0xffff;
	[tilespmem:s15+$0xFFFFFFF0] =	vst v2  }
0x18e: {  	s17 =	sadd.s32 $0x40, s15;
	[tilespmem:s15+$0x0] =	vst v3  }
0x18f: {  	[tilespmem:s17+$0x10] =	vst v4  }
0x190: {  	[tilespmem:s17+$0xFFFFFFE0] =	vst v6  }
0x191: {  	[tilespmem:s17+$0xFFFFFFF0] =	vst v1  }
0x192: {  	[tilespmem:s17+$0x0] =	vst v0  }
0x193: {  	s15 =	rddreg [dreg:$0xf]  }
0x194: {  	[tilespmem:s7], [sflag:$0x1] =	stream.strided.gather [hbm4b:s15+s5], $0x18700, s6, s5, $0x38;
	[tilespmem:$0x1B700] =	vst v63  }
0x195: {  	_ = 	snop  }
0x196: {  	[hbm4b:s28+s5] =	stream.strided.scatter [tilespmem:s10], [sflag:$0x2], $0x1000, s6, s5, $0x38;
	[tilespmem:$0x1B700] =	vst v63  }
0x197: {  	_ =	swait.ge [sflag:s13], $0x1000  }
0x198: {  	[sflag:s13] =	ssyncset.done $0x0  }
0x199: {  	[sflag:s13] =	ssyncadd.s32 $0xFFFFF000  }
0x19a: {  	_ =	swait.ge [sflag:s9], $0x18700  }
0x19b: {  	[sflag:s9] =	ssyncset.done $0x0  }
0x19c: {  	s16 =	simm.s32 $0x20;
	[sflag:s9] =	ssyncadd.s32 $0xFFFE7900  }
0x19d: {  	v0 =	vld [tilespmem:s16+$0x10];
	_ =	sdelay $0x1  }
0x19e: {  	v2 =	vld [tilespmem:s16+$0xFFFFFFE0]  }
0x19f: {  	v3 =	vld [tilespmem:s16+$0xFFFFFFF0]  }
0x1a0: {  	s17 =	simm.s32 $0x60;
	v4 =	vld [tilespmem:s16+$0x0]  }
0x1a1: {  	v7 =	vld [tilespmem:s17+$0x10]  }
0x1a2: {  	v1 =	vld [tilespmem:s17+$0xFFFFFFF0]  }
0x1a3: {  	v6 =	vld [tilespmem:s17+$0xFFFFFFE0]  }
0x1a4: {  	v8 =	vld.idx.msk [tilespmem:v0+s7+$0x0], $0xffff  }
0x1a5: {  	v0 =	vld [tilespmem:s17+$0x0]  }
0x1a6: {  	v5 =	vld.idx.msk [tilespmem:v2+s7+$0x0], $0xffff  }
0x1a7: {  	v2 =	vld.idx.msk [tilespmem:v3+s7+$0x0], $0xffff  }
0x1a8: {  	s15 =	simm.s32 $0x1A720;
	v3 =	vld.idx.msk [tilespmem:v4+s7+$0x0], $0xffff  }
0x1a9: {  	s16 =	simm.s32 $0x4;
	v4 =	vld.idx.msk [tilespmem:v7+s7+$0x0], $0xffff;
	s17 =	simm.s32 $0xA0;
	[tilespmem:s15+$0x10] =	vst v8  }
.LBB2_20:
0x1aa: {  	v7 =	vld [tilespmem:s17+$0x10];
	s16 =	sadd.s32 $0x4, s16  }
0x1ab: {  	v8 =	vld [tilespmem:s17+$0xFFFFFFF0];
	p0 =	slt.u32 s16, $0xFC;
	[tilespmem:s15+$0xFFFFFFE0] =	vst v5  }
0x1ac: {  	v9 =	vld [tilespmem:s17+$0x0];
	[tilespmem:s15+$0xFFFFFFF0] =	vst v2  }
0x1ad: {  	v10 =	vld [tilespmem:s17+$0xFFFFFFE0];
	[tilespmem:s15+$0x0] =	vst v3  }
.Ltmp9:
0x1ae: {  	s15 =	sadd.s32 $0x40, s15;
	v5 =	vld.idx.msk [tilespmem:v6+s7+$0x0], $0xffff;
	(pc) =	sbr.rel @p0 .LBB2_20-.Ltmp9, $4  }
0x1af: {  	v2 =	vld.idx.msk [tilespmem:v1+s7+$0x0], $0xffff;
	[tilespmem:s15+$0x10] =	vst v4  }
0x1b0: {  	v3 =	vld.idx.msk [tilespmem:v0+s7+$0x0], $0xffff;
	v1 =	vmov v8  }
0x1b1: {  	v0 =	vmov v9  }
0x1b2: {  	s17 =	sadd.s32 $0x40, s17;
	v4 =	vld.idx.msk [tilespmem:v7+s7+$0x0], $0xffff;
	v6 =	vmov v10  }
0x1b3: {  	_ =	sdelay $0x3  }
0x1b4: {  	v6 =	vld.idx.msk [tilespmem:v6+s7+$0x0], $0xffff  }
0x1b5: {  	[tilespmem:s15+$0xFFFFFFE0] =	vst v5;
	v1 =	vld.idx.msk [tilespmem:v1+s7+$0x0], $0xffff  }
0x1b6: {  	v0 =	vld.idx.msk [tilespmem:v0+s7+$0x0], $0xffff;
	[tilespmem:s15+$0xFFFFFFF0] =	vst v2  }
0x1b7: {  	s17 =	sadd.s32 $0x40, s15;
	[tilespmem:s15+$0x0] =	vst v3  }
0x1b8: {  	[tilespmem:s17+$0x10] =	vst v4  }
0x1b9: {  	[tilespmem:s17+$0xFFFFFFE0] =	vst v6  }
0x1ba: {  	[tilespmem:s17+$0xFFFFFFF0] =	vst v1  }
0x1bb: {  	[tilespmem:s17+$0x0] =	vst v0  }
0x1bc: {  	s15 =	rddreg [dreg:$0x10]  }
0x1bd: {  	[tilespmem:s7], [sflag:$0x1] =	stream.strided.gather [hbm4b:s15+s5], $0x18700, s6, s5, $0x38;
	[tilespmem:$0x1B700] =	vst v63  }
0x1be: {  	_ = 	snop  }
0x1bf: {  	[hbm4b:s29+s5] =	stream.strided.scatter [tilespmem:s11], [sflag:$0x3], $0x1000, s6, s5, $0x38;
	[tilespmem:$0x1B700] =	vst v63  }
0x1c0: {  	_ =	swait.ge [sflag:s12], $0x1000  }
0x1c1: {  	[sflag:s12] =	ssyncset.done $0x0  }
0x1c2: {  	[sflag:s12] =	ssyncadd.s32 $0xFFFFF000  }
0x1c3: {  	_ =	swait.ge [sflag:s9], $0x18700  }
0x1c4: {  	[sflag:s9] =	ssyncset.done $0x0  }
0x1c5: {  	s16 =	simm.s32 $0x20;
	[sflag:s9] =	ssyncadd.s32 $0xFFFE7900  }
0x1c6: {  	v0 =	vld [tilespmem:s16+$0x10];
	_ =	sdelay $0x1  }
0x1c7: {  	v2 =	vld [tilespmem:s16+$0xFFFFFFE0]  }
0x1c8: {  	v3 =	vld [tilespmem:s16+$0xFFFFFFF0]  }
0x1c9: {  	s17 =	simm.s32 $0x60;
	v4 =	vld [tilespmem:s16+$0x0]  }
0x1ca: {  	v7 =	vld [tilespmem:s17+$0x10]  }
0x1cb: {  	v1 =	vld [tilespmem:s17+$0xFFFFFFF0]  }
0x1cc: {  	v6 =	vld [tilespmem:s17+$0xFFFFFFE0]  }
0x1cd: {  	v8 =	vld.idx.msk [tilespmem:v0+s7+$0x0], $0xffff  }
0x1ce: {  	v0 =	vld [tilespmem:s17+$0x0]  }
0x1cf: {  	v5 =	vld.idx.msk [tilespmem:v2+s7+$0x0], $0xffff  }
0x1d0: {  	v2 =	vld.idx.msk [tilespmem:v3+s7+$0x0], $0xffff  }
0x1d1: {  	s15 =	simm.s32 $0x19720;
	v3 =	vld.idx.msk [tilespmem:v4+s7+$0x0], $0xffff  }
0x1d2: {  	s16 =	simm.s32 $0x4;
	v4 =	vld.idx.msk [tilespmem:v7+s7+$0x0], $0xffff;
	s17 =	simm.s32 $0xA0;
	[tilespmem:s15+$0x10] =	vst v8  }
.LBB2_22:
0x1d3: {  	v7 =	vld [tilespmem:s17+$0x10];
	s16 =	sadd.s32 $0x4, s16  }
0x1d4: {  	v8 =	vld [tilespmem:s17+$0xFFFFFFF0];
	p0 =	slt.u32 s16, $0xFC;
	[tilespmem:s15+$0xFFFFFFE0] =	vst v5  }
0x1d5: {  	v9 =	vld [tilespmem:s17+$0x0];
	[tilespmem:s15+$0xFFFFFFF0] =	vst v2  }
0x1d6: {  	v10 =	vld [tilespmem:s17+$0xFFFFFFE0];
	[tilespmem:s15+$0x0] =	vst v3  }
.Ltmp10:
0x1d7: {  	s15 =	sadd.s32 $0x40, s15;
	v5 =	vld.idx.msk [tilespmem:v6+s7+$0x0], $0xffff;
	(pc) =	sbr.rel @p0 .LBB2_22-.Ltmp10, $4  }
0x1d8: {  	v2 =	vld.idx.msk [tilespmem:v1+s7+$0x0], $0xffff;
	[tilespmem:s15+$0x10] =	vst v4  }
0x1d9: {  	v3 =	vld.idx.msk [tilespmem:v0+s7+$0x0], $0xffff;
	v1 =	vmov v8  }
0x1da: {  	v0 =	vmov v9  }
0x1db: {  	s17 =	sadd.s32 $0x40, s17;
	v4 =	vld.idx.msk [tilespmem:v7+s7+$0x0], $0xffff;
	v6 =	vmov v10  }
0x1dc: {  	_ =	sdelay $0x3  }
0x1dd: {  	v6 =	vld.idx.msk [tilespmem:v6+s7+$0x0], $0xffff  }
0x1de: {  	[tilespmem:s15+$0xFFFFFFE0] =	vst v5;
	v1 =	vld.idx.msk [tilespmem:v1+s7+$0x0], $0xffff  }
0x1df: {  	v0 =	vld.idx.msk [tilespmem:v0+s7+$0x0], $0xffff;
	[tilespmem:s15+$0xFFFFFFF0] =	vst v2  }
0x1e0: {  	s17 =	sadd.s32 $0x40, s15;
	[tilespmem:s15+$0x0] =	vst v3  }
0x1e1: {  	[tilespmem:s17+$0x10] =	vst v4  }
0x1e2: {  	[tilespmem:s17+$0xFFFFFFE0] =	vst v6  }
0x1e3: {  	[tilespmem:s17+$0xFFFFFFF0] =	vst v1  }
0x1e4: {  	[tilespmem:s17+$0x0] =	vst v0  }
0x1e5: {  	s15 =	rddreg [dreg:$0x11]  }
0x1e6: {  	[tilespmem:s7], [sflag:$0x1] =	stream.strided.gather [hbm4b:s15+s5], $0x18700, s6, s5, $0x38;
	[tilespmem:$0x1B700] =	vst v63  }
0x1e7: {  	_ = 	snop  }
0x1e8: {  	[hbm4b:s31+s5] =	stream.strided.scatter [tilespmem:s10], [sflag:$0x2], $0x1000, s6, s5, $0x38;
	[tilespmem:$0x1B700] =	vst v63  }
0x1e9: {  	_ =	swait.ge [sflag:s13], $0x1000  }
0x1ea: {  	[sflag:s13] =	ssyncset.done $0x0  }
0x1eb: {  	[sflag:s13] =	ssyncadd.s32 $0xFFFFF000  }
0x1ec: {  	_ =	swait.ge [sflag:s9], $0x18700  }
0x1ed: {  	[sflag:s9] =	ssyncset.done $0x0  }
0x1ee: {  	s16 =	simm.s32 $0x20;
	[sflag:s9] =	ssyncadd.s32 $0xFFFE7900  }
0x1ef: {  	v0 =	vld [tilespmem:s16+$0x10];
	_ =	sdelay $0x1  }
0x1f0: {  	v2 =	vld [tilespmem:s16+$0xFFFFFFE0]  }
0x1f1: {  	v3 =	vld [tilespmem:s16+$0xFFFFFFF0]  }
0x1f2: {  	s17 =	simm.s32 $0x60;
	v4 =	vld [tilespmem:s16+$0x0]  }
0x1f3: {  	v7 =	vld [tilespmem:s17+$0x10]  }
0x1f4: {  	v1 =	vld [tilespmem:s17+$0xFFFFFFF0]  }
0x1f5: {  	v6 =	vld [tilespmem:s17+$0xFFFFFFE0]  }
0x1f6: {  	v8 =	vld.idx.msk [tilespmem:v0+s7+$0x0], $0xffff  }
0x1f7: {  	v0 =	vld [tilespmem:s17+$0x0]  }
0x1f8: {  	v5 =	vld.idx.msk [tilespmem:v2+s7+$0x0], $0xffff  }
0x1f9: {  	v2 =	vld.idx.msk [tilespmem:v3+s7+$0x0], $0xffff  }
0x1fa: {  	s15 =	simm.s32 $0x1A720;
	v3 =	vld.idx.msk [tilespmem:v4+s7+$0x0], $0xffff  }
0x1fb: {  	s16 =	simm.s32 $0x4;
	v4 =	vld.idx.msk [tilespmem:v7+s7+$0x0], $0xffff;
	s17 =	simm.s32 $0xA0;
	[tilespmem:s15+$0x10] =	vst v8  }
.LBB2_24:
0x1fc: {  	v7 =	vld [tilespmem:s17+$0x10];
	s16 =	sadd.s32 $0x4, s16  }
0x1fd: {  	v8 =	vld [tilespmem:s17+$0xFFFFFFF0];
	p0 =	slt.u32 s16, $0xFC;
	[tilespmem:s15+$0xFFFFFFE0] =	vst v5  }
0x1fe: {  	v9 =	vld [tilespmem:s17+$0x0];
	[tilespmem:s15+$0xFFFFFFF0] =	vst v2  }
0x1ff: {  	v10 =	vld [tilespmem:s17+$0xFFFFFFE0];
	[tilespmem:s15+$0x0] =	vst v3  }
.Ltmp11:
0x200: {  	s15 =	sadd.s32 $0x40, s15;
	v5 =	vld.idx.msk [tilespmem:v6+s7+$0x0], $0xffff;
	(pc) =	sbr.rel @p0 .LBB2_24-.Ltmp11, $4  }
0x201: {  	v2 =	vld.idx.msk [tilespmem:v1+s7+$0x0], $0xffff;
	[tilespmem:s15+$0x10] =	vst v4  }
0x202: {  	v3 =	vld.idx.msk [tilespmem:v0+s7+$0x0], $0xffff;
	v1 =	vmov v8  }
0x203: {  	v0 =	vmov v9  }
0x204: {  	s17 =	sadd.s32 $0x40, s17;
	v4 =	vld.idx.msk [tilespmem:v7+s7+$0x0], $0xffff;
	v6 =	vmov v10  }
0x205: {  	_ =	sdelay $0x3  }
0x206: {  	v6 =	vld.idx.msk [tilespmem:v6+s7+$0x0], $0xffff  }
0x207: {  	[tilespmem:s15+$0xFFFFFFE0] =	vst v5;
	v1 =	vld.idx.msk [tilespmem:v1+s7+$0x0], $0xffff  }
0x208: {  	v0 =	vld.idx.msk [tilespmem:v0+s7+$0x0], $0xffff;
	[tilespmem:s15+$0xFFFFFFF0] =	vst v2  }
0x209: {  	s17 =	sadd.s32 $0x40, s15;
	[tilespmem:s15+$0x0] =	vst v3  }
0x20a: {  	[tilespmem:s17+$0x10] =	vst v4  }
0x20b: {  	[tilespmem:s17+$0xFFFFFFE0] =	vst v6  }
0x20c: {  	[tilespmem:s17+$0xFFFFFFF0] =	vst v1  }
0x20d: {  	[tilespmem:s17+$0x0] =	vst v0  }
0x20e: {  	s15 =	rddreg [dreg:$0x12]  }
0x20f: {  	[tilespmem:s7], [sflag:$0x1] =	stream.strided.gather [hbm4b:s15+s5], $0x18700, s6, s5, $0x38;
	[tilespmem:$0x1B700] =	vst v63  }
0x210: {  	_ = 	snop  }
0x211: {  	[hbm4b:s30+s5] =	stream.strided.scatter [tilespmem:s11], [sflag:$0x3], $0x1000, s6, s5, $0x38;
	[tilespmem:$0x1B700] =	vst v63  }
0x212: {  	_ =	swait.ge [sflag:s12], $0x1000  }
0x213: {  	[sflag:s12] =	ssyncset.done $0x0  }
0x214: {  	[sflag:s12] =	ssyncadd.s32 $0xFFFFF000  }
0x215: {  	_ =	swait.ge [sflag:s9], $0x18700  }
0x216: {  	[sflag:s9] =	ssyncset.done $0x0  }
0x217: {  	s16 =	simm.s32 $0x20;
	[sflag:s9] =	ssyncadd.s32 $0xFFFE7900  }
0x218: {  	v0 =	vld [tilespmem:s16+$0x10];
	_ =	sdelay $0x1  }
0x219: {  	v2 =	vld [tilespmem:s16+$0xFFFFFFE0]  }
0x21a: {  	v3 =	vld [tilespmem:s16+$0xFFFFFFF0]  }
0x21b: {  	s17 =	simm.s32 $0x60;
	v4 =	vld [tilespmem:s16+$0x0]  }
0x21c: {  	v7 =	vld [tilespmem:s17+$0x10]  }
0x21d: {  	v1 =	vld [tilespmem:s17+$0xFFFFFFF0]  }
0x21e: {  	v6 =	vld [tilespmem:s17+$0xFFFFFFE0]  }
0x21f: {  	v8 =	vld.idx.msk [tilespmem:v0+s7+$0x0], $0xffff  }
0x220: {  	v0 =	vld [tilespmem:s17+$0x0]  }
0x221: {  	v5 =	vld.idx.msk [tilespmem:v2+s7+$0x0], $0xffff  }
0x222: {  	v2 =	vld.idx.msk [tilespmem:v3+s7+$0x0], $0xffff  }
0x223: {  	s15 =	simm.s32 $0x19720;
	v3 =	vld.idx.msk [tilespmem:v4+s7+$0x0], $0xffff  }
0x224: {  	s16 =	simm.s32 $0x4;
	v4 =	vld.idx.msk [tilespmem:v7+s7+$0x0], $0xffff;
	s17 =	simm.s32 $0xA0;
	[tilespmem:s15+$0x10] =	vst v8  }
.LBB2_26:
0x225: {  	v7 =	vld [tilespmem:s17+$0x10];
	s16 =	sadd.s32 $0x4, s16  }
0x226: {  	v8 =	vld [tilespmem:s17+$0xFFFFFFF0];
	p0 =	slt.u32 s16, $0xFC;
	[tilespmem:s15+$0xFFFFFFE0] =	vst v5  }
0x227: {  	v9 =	vld [tilespmem:s17+$0x0];
	[tilespmem:s15+$0xFFFFFFF0] =	vst v2  }
0x228: {  	v10 =	vld [tilespmem:s17+$0xFFFFFFE0];
	[tilespmem:s15+$0x0] =	vst v3  }
.Ltmp12:
0x229: {  	s15 =	sadd.s32 $0x40, s15;
	v5 =	vld.idx.msk [tilespmem:v6+s7+$0x0], $0xffff;
	(pc) =	sbr.rel @p0 .LBB2_26-.Ltmp12, $4  }
0x22a: {  	v2 =	vld.idx.msk [tilespmem:v1+s7+$0x0], $0xffff;
	[tilespmem:s15+$0x10] =	vst v4  }
0x22b: {  	v3 =	vld.idx.msk [tilespmem:v0+s7+$0x0], $0xffff;
	v1 =	vmov v8  }
0x22c: {  	v0 =	vmov v9  }
0x22d: {  	s17 =	sadd.s32 $0x40, s17;
	v4 =	vld.idx.msk [tilespmem:v7+s7+$0x0], $0xffff;
	v6 =	vmov v10  }
0x22e: {  	_ =	sdelay $0x3  }
0x22f: {  	v6 =	vld.idx.msk [tilespmem:v6+s7+$0x0], $0xffff  }
0x230: {  	[tilespmem:s15+$0xFFFFFFE0] =	vst v5;
	v1 =	vld.idx.msk [tilespmem:v1+s7+$0x0], $0xffff  }
0x231: {  	v0 =	vld.idx.msk [tilespmem:v0+s7+$0x0], $0xffff;
	[tilespmem:s15+$0xFFFFFFF0] =	vst v2  }
0x232: {  	s17 =	sadd.s32 $0x40, s15;
	[tilespmem:s15+$0x0] =	vst v3  }
0x233: {  	[tilespmem:s17+$0x10] =	vst v4  }
0x234: {  	[tilespmem:s17+$0xFFFFFFE0] =	vst v6  }
0x235: {  	[tilespmem:s17+$0xFFFFFFF0] =	vst v1  }
0x236: {  	[tilespmem:s17+$0x0] =	vst v0  }
0x237: {  	s15 =	rddreg [dreg:$0x13]  }
0x238: {  	[tilespmem:s7], [sflag:$0x1] =	stream.strided.gather [hbm4b:s15+s5], $0x18700, s6, s5, $0x38;
	[tilespmem:$0x1B700] =	vst v63  }
0x239: {  	_ = 	snop  }
0x23a: {  	[hbm4b:s0+s5] =	stream.strided.scatter [tilespmem:s10], [sflag:$0x2], $0x1000, s6, s5, $0x38;
	[tilespmem:$0x1B700] =	vst v63  }
0x23b: {  	_ =	swait.ge [sflag:s13], $0x1000  }
0x23c: {  	[sflag:s13] =	ssyncset.done $0x0  }
0x23d: {  	[sflag:s13] =	ssyncadd.s32 $0xFFFFF000  }
0x23e: {  	_ =	swait.ge [sflag:s9], $0x18700  }
0x23f: {  	[sflag:s9] =	ssyncset.done $0x0  }
0x240: {  	s16 =	simm.s32 $0x20;
	[sflag:s9] =	ssyncadd.s32 $0xFFFE7900  }
0x241: {  	v0 =	vld [tilespmem:s16+$0x10];
	_ =	sdelay $0x1  }
0x242: {  	v2 =	vld [tilespmem:s16+$0xFFFFFFE0]  }
0x243: {  	v3 =	vld [tilespmem:s16+$0xFFFFFFF0]  }
0x244: {  	s17 =	simm.s32 $0x60;
	v4 =	vld [tilespmem:s16+$0x0]  }
0x245: {  	v7 =	vld [tilespmem:s17+$0x10]  }
0x246: {  	v1 =	vld [tilespmem:s17+$0xFFFFFFF0]  }
0x247: {  	v6 =	vld [tilespmem:s17+$0xFFFFFFE0]  }
0x248: {  	v8 =	vld.idx.msk [tilespmem:v0+s7+$0x0], $0xffff  }
0x249: {  	v0 =	vld [tilespmem:s17+$0x0]  }
0x24a: {  	v5 =	vld.idx.msk [tilespmem:v2+s7+$0x0], $0xffff  }
0x24b: {  	v2 =	vld.idx.msk [tilespmem:v3+s7+$0x0], $0xffff  }
0x24c: {  	s15 =	simm.s32 $0x1A720;
	v3 =	vld.idx.msk [tilespmem:v4+s7+$0x0], $0xffff  }
0x24d: {  	s16 =	simm.s32 $0x4;
	v4 =	vld.idx.msk [tilespmem:v7+s7+$0x0], $0xffff;
	s17 =	simm.s32 $0xA0;
	[tilespmem:s15+$0x10] =	vst v8  }
.LBB2_28:
0x24e: {  	v7 =	vld [tilespmem:s17+$0x10];
	s16 =	sadd.s32 $0x4, s16  }
0x24f: {  	v8 =	vld [tilespmem:s17+$0xFFFFFFF0];
	p0 =	slt.u32 s16, $0xFC;
	[tilespmem:s15+$0xFFFFFFE0] =	vst v5  }
0x250: {  	v9 =	vld [tilespmem:s17+$0x0];
	[tilespmem:s15+$0xFFFFFFF0] =	vst v2  }
0x251: {  	v10 =	vld [tilespmem:s17+$0xFFFFFFE0];
	[tilespmem:s15+$0x0] =	vst v3  }
.Ltmp13:
0x252: {  	s15 =	sadd.s32 $0x40, s15;
	v5 =	vld.idx.msk [tilespmem:v6+s7+$0x0], $0xffff;
	(pc) =	sbr.rel @p0 .LBB2_28-.Ltmp13, $4  }
0x253: {  	v2 =	vld.idx.msk [tilespmem:v1+s7+$0x0], $0xffff;
	[tilespmem:s15+$0x10] =	vst v4  }
0x254: {  	v3 =	vld.idx.msk [tilespmem:v0+s7+$0x0], $0xffff;
	v1 =	vmov v8  }
0x255: {  	v0 =	vmov v9  }
0x256: {  	s17 =	sadd.s32 $0x40, s17;
	v4 =	vld.idx.msk [tilespmem:v7+s7+$0x0], $0xffff;
	v6 =	vmov v10  }
0x257: {  	_ =	sdelay $0x3  }
0x258: {  	v6 =	vld.idx.msk [tilespmem:v6+s7+$0x0], $0xffff  }
0x259: {  	[tilespmem:s15+$0xFFFFFFE0] =	vst v5;
	v1 =	vld.idx.msk [tilespmem:v1+s7+$0x0], $0xffff  }
0x25a: {  	v0 =	vld.idx.msk [tilespmem:v0+s7+$0x0], $0xffff;
	[tilespmem:s15+$0xFFFFFFF0] =	vst v2  }
0x25b: {  	s17 =	sadd.s32 $0x40, s15;
	[tilespmem:s15+$0x0] =	vst v3  }
0x25c: {  	[tilespmem:s17+$0x10] =	vst v4  }
0x25d: {  	[tilespmem:s17+$0xFFFFFFE0] =	vst v6  }
0x25e: {  	[tilespmem:s17+$0xFFFFFFF0] =	vst v1  }
0x25f: {  	[tilespmem:s17+$0x0] =	vst v0  }
0x260: {  	[tilespmem:s7], [sflag:$0x1] =	stream.strided.gather [hbm4b:s18+s5], $0x18700, s6, s5, $0x38;
	[tilespmem:$0x1B700] =	vst v63  }
0x261: {  	_ = 	snop  }
0x262: {  	[hbm4b:s1+s5] =	stream.strided.scatter [tilespmem:s11], [sflag:$0x3], $0x1000, s6, s5, $0x38;
	[tilespmem:$0x1B700] =	vst v63  }
0x263: {  	_ =	swait.ge [sflag:s12], $0x1000  }
0x264: {  	[sflag:s12] =	ssyncset.done $0x0  }
0x265: {  	[sflag:s12] =	ssyncadd.s32 $0xFFFFF000  }
0x266: {  	_ =	swait.ge [sflag:s9], $0x18700  }
0x267: {  	[sflag:s9] =	ssyncset.done $0x0  }
0x268: {  	s16 =	simm.s32 $0x20;
	[sflag:s9] =	ssyncadd.s32 $0xFFFE7900  }
0x269: {  	v0 =	vld [tilespmem:s16+$0x10];
	_ =	sdelay $0x1  }
0x26a: {  	v2 =	vld [tilespmem:s16+$0xFFFFFFE0]  }
0x26b: {  	v3 =	vld [tilespmem:s16+$0xFFFFFFF0]  }
0x26c: {  	s17 =	simm.s32 $0x60;
	v4 =	vld [tilespmem:s16+$0x0]  }
0x26d: {  	v7 =	vld [tilespmem:s17+$0x10]  }
0x26e: {  	v1 =	vld [tilespmem:s17+$0xFFFFFFF0]  }
0x26f: {  	v6 =	vld [tilespmem:s17+$0xFFFFFFE0]  }
0x270: {  	v8 =	vld.idx.msk [tilespmem:v0+s7+$0x0], $0xffff  }
0x271: {  	v0 =	vld [tilespmem:s17+$0x0]  }
0x272: {  	v5 =	vld.idx.msk [tilespmem:v2+s7+$0x0], $0xffff  }
0x273: {  	v2 =	vld.idx.msk [tilespmem:v3+s7+$0x0], $0xffff  }
0x274: {  	s15 =	simm.s32 $0x19720;
	v3 =	vld.idx.msk [tilespmem:v4+s7+$0x0], $0xffff  }
0x275: {  	s16 =	simm.s32 $0x4;
	v4 =	vld.idx.msk [tilespmem:v7+s7+$0x0], $0xffff;
	s17 =	simm.s32 $0xA0;
	[tilespmem:s15+$0x10] =	vst v8  }
.LBB2_30:
0x276: {  	v7 =	vld [tilespmem:s17+$0x10];
	s16 =	sadd.s32 $0x4, s16  }
0x277: {  	v8 =	vld [tilespmem:s17+$0xFFFFFFF0];
	p0 =	slt.u32 s16, $0xFC;
	[tilespmem:s15+$0xFFFFFFE0] =	vst v5  }
0x278: {  	v9 =	vld [tilespmem:s17+$0x0];
	[tilespmem:s15+$0xFFFFFFF0] =	vst v2  }
0x279: {  	v10 =	vld [tilespmem:s17+$0xFFFFFFE0];
	[tilespmem:s15+$0x0] =	vst v3  }
.Ltmp14:
0x27a: {  	s15 =	sadd.s32 $0x40, s15;
	v5 =	vld.idx.msk [tilespmem:v6+s7+$0x0], $0xffff;
	(pc) =	sbr.rel @p0 .LBB2_30-.Ltmp14, $4  }
0x27b: {  	v2 =	vld.idx.msk [tilespmem:v1+s7+$0x0], $0xffff;
	[tilespmem:s15+$0x10] =	vst v4  }
0x27c: {  	v3 =	vld.idx.msk [tilespmem:v0+s7+$0x0], $0xffff;
	v1 =	vmov v8  }
0x27d: {  	v0 =	vmov v9  }
0x27e: {  	s17 =	sadd.s32 $0x40, s17;
	v4 =	vld.idx.msk [tilespmem:v7+s7+$0x0], $0xffff;
	v6 =	vmov v10  }
0x27f: {  	_ =	sdelay $0x3  }
0x280: {  	v6 =	vld.idx.msk [tilespmem:v6+s7+$0x0], $0xffff  }
0x281: {  	[tilespmem:s15+$0xFFFFFFE0] =	vst v5;
	v1 =	vld.idx.msk [tilespmem:v1+s7+$0x0], $0xffff  }
0x282: {  	v0 =	vld.idx.msk [tilespmem:v0+s7+$0x0], $0xffff;
	[tilespmem:s15+$0xFFFFFFF0] =	vst v2  }
0x283: {  	s17 =	sadd.s32 $0x40, s15;
	[tilespmem:s15+$0x0] =	vst v3  }
0x284: {  	[tilespmem:s17+$0x10] =	vst v4  }
0x285: {  	[tilespmem:s17+$0xFFFFFFE0] =	vst v6  }
0x286: {  	[tilespmem:s17+$0xFFFFFFF0] =	vst v1  }
0x287: {  	[tilespmem:s17+$0x0] =	vst v0  }
0x288: {  	[tilespmem:s7], [sflag:$0x1] =	stream.strided.gather [hbm4b:s19+s5], $0x18700, s6, s5, $0x38;
	[tilespmem:$0x1B700] =	vst v63  }
0x289: {  	_ = 	snop  }
0x28a: {  	[hbm4b:s2+s5] =	stream.strided.scatter [tilespmem:s10], [sflag:$0x2], $0x1000, s6, s5, $0x38;
	[tilespmem:$0x1B700] =	vst v63  }
0x28b: {  	_ =	swait.ge [sflag:s13], $0x1000  }
0x28c: {  	[sflag:s13] =	ssyncset.done $0x0  }
0x28d: {  	[sflag:s13] =	ssyncadd.s32 $0xFFFFF000  }
0x28e: {  	_ =	swait.ge [sflag:s9], $0x18700  }
0x28f: {  	[sflag:s9] =	ssyncset.done $0x0  }
0x290: {  	s16 =	simm.s32 $0x20;
	[sflag:s9] =	ssyncadd.s32 $0xFFFE7900  }
0x291: {  	v0 =	vld [tilespmem:s16+$0x10];
	_ =	sdelay $0x1  }
0x292: {  	v2 =	vld [tilespmem:s16+$0xFFFFFFE0]  }
0x293: {  	v3 =	vld [tilespmem:s16+$0xFFFFFFF0]  }
0x294: {  	s17 =	simm.s32 $0x60;
	v4 =	vld [tilespmem:s16+$0x0]  }
0x295: {  	v7 =	vld [tilespmem:s17+$0x10]  }
0x296: {  	v1 =	vld [tilespmem:s17+$0xFFFFFFF0]  }
0x297: {  	v6 =	vld [tilespmem:s17+$0xFFFFFFE0]  }
0x298: {  	v8 =	vld.idx.msk [tilespmem:v0+s7+$0x0], $0xffff  }
0x299: {  	v0 =	vld [tilespmem:s17+$0x0]  }
0x29a: {  	v5 =	vld.idx.msk [tilespmem:v2+s7+$0x0], $0xffff  }
0x29b: {  	v2 =	vld.idx.msk [tilespmem:v3+s7+$0x0], $0xffff  }
0x29c: {  	s15 =	simm.s32 $0x1A720;
	v3 =	vld.idx.msk [tilespmem:v4+s7+$0x0], $0xffff  }
0x29d: {  	s16 =	simm.s32 $0x4;
	v4 =	vld.idx.msk [tilespmem:v7+s7+$0x0], $0xffff;
	s17 =	simm.s32 $0xA0;
	[tilespmem:s15+$0x10] =	vst v8  }
.LBB2_32:
0x29e: {  	v7 =	vld [tilespmem:s17+$0x10];
	s16 =	sadd.s32 $0x4, s16  }
0x29f: {  	v8 =	vld [tilespmem:s17+$0xFFFFFFF0];
	p0 =	slt.u32 s16, $0xFC;
	[tilespmem:s15+$0xFFFFFFE0] =	vst v5  }
0x2a0: {  	v9 =	vld [tilespmem:s17+$0x0];
	[tilespmem:s15+$0xFFFFFFF0] =	vst v2  }
0x2a1: {  	v10 =	vld [tilespmem:s17+$0xFFFFFFE0];
	[tilespmem:s15+$0x0] =	vst v3  }
.Ltmp15:
0x2a2: {  	s15 =	sadd.s32 $0x40, s15;
	v5 =	vld.idx.msk [tilespmem:v6+s7+$0x0], $0xffff;
	(pc) =	sbr.rel @p0 .LBB2_32-.Ltmp15, $4  }
0x2a3: {  	v2 =	vld.idx.msk [tilespmem:v1+s7+$0x0], $0xffff;
	[tilespmem:s15+$0x10] =	vst v4  }
0x2a4: {  	v3 =	vld.idx.msk [tilespmem:v0+s7+$0x0], $0xffff;
	v1 =	vmov v8  }
0x2a5: {  	v0 =	vmov v9  }
0x2a6: {  	s17 =	sadd.s32 $0x40, s17;
	v4 =	vld.idx.msk [tilespmem:v7+s7+$0x0], $0xffff;
	v6 =	vmov v10  }
0x2a7: {  	_ =	sdelay $0x3  }
0x2a8: {  	v6 =	vld.idx.msk [tilespmem:v6+s7+$0x0], $0xffff  }
0x2a9: {  	[tilespmem:s15+$0xFFFFFFE0] =	vst v5;
	v1 =	vld.idx.msk [tilespmem:v1+s7+$0x0], $0xffff  }
0x2aa: {  	v0 =	vld.idx.msk [tilespmem:v0+s7+$0x0], $0xffff;
	[tilespmem:s15+$0xFFFFFFF0] =	vst v2  }
0x2ab: {  	s17 =	sadd.s32 $0x40, s15;
	[tilespmem:s15+$0x0] =	vst v3  }
0x2ac: {  	[tilespmem:s17+$0x10] =	vst v4  }
0x2ad: {  	[tilespmem:s17+$0xFFFFFFE0] =	vst v6  }
0x2ae: {  	[tilespmem:s17+$0xFFFFFFF0] =	vst v1  }
0x2af: {  	s14 =	sadd.s32 $0x1, s14;
	[tilespmem:s17+$0x0] =	vst v0  }
0x2b0: {  	[hbm4b:s3+s5] =	stream.strided.scatter [tilespmem:s11], [sflag:$0x3], $0x1000, s6, s5, $0x38;
	[tilespmem:$0x1B700] =	vst v63  }
0x2b1: {  	p0 =	sne.s32 s14, s4;
	_ =	swait.ge [sflag:s12], $0x1000  }
.Ltmp16:
0x2b2: {  	[sflag:s12] =	ssyncset.done $0x0;
	(pc) =	sbr.rel @p0 .LBB2_1-.Ltmp16, $4  }
0x2b3: {  	[sflag:s12] =	ssyncadd.s32 $0xFFFFF000  }
0x2b4: {  	_ =	swait.ge [sflag:s13], $0x1000  }
0x2b5: {  	[sflag:s13] =	ssyncset.done $0x0  }
0x2b6: {  	[sflag:s13] =	ssyncadd.s32 $0xFFFFF000  }
0x2b7: {  	_ =	sfence.sel $0x180000  }
0x2b8: {  	[bflag:$0x0] =	sbarrier.arrive $0xFFFF  }
0x2b9: {  	_ =	strace $0x90000047  }
0x2ba: {  	s0 =	stileid.u32;
	[bflag:$0x2] =	sbarrier.arrive $0xFFFF  }
0x2bb: {  	p0 =	sne.s32 s0, $0x0;
	s0 =	rddreg [dreg:$0x3]  }
0x2bc: {  	s0 =	sadd.s32 @!p0 $0x100000, s0  }
0x2bd: {  	[sflag:s0] =	ssyncadd.tile.s32 @!p0 $0x1;
	_ =	shalt  }
.Lfunc_end2:
_tile_overlayer_lowered:
.L_overlay_start_2:
0x2be: {  	(tag) =	ssettag $0x2  }
0x2bf: {  	s0 =	rddreg [dreg:$0x0];
	s2 =	stileid.u32  }
0x2c0: {  	s1 =	rddreg [dreg:$0x1];
	p0 =	sne.s32 s2, $0x0  }
0x2c1: {  	s3 =	rddreg [dreg:$0x2];
	[bflag:$0x3] =	sbarrier.arrive $0xFFFF;
	s2 =	simm.s32 @!p0 $0x1C04  }
0x2c2: {  	[timem:s3], [sflag:s2] =	dma.local @!p0 [hbm:s0], s1  }
0x2c3: {  	s0 =	simm.s32 @!p0 $0x4  }
0x2c4: {  	_ =	swait.ge @!p0 [sflag:s0], s1  }
0x2c5: {  	s1 =	ssub.s32 @!p0 $0x0, s1;
	[sflag:s0] =	ssyncset.done @!p0 $0x0  }
0x2c6: {  	[sflag:s0] =	ssyncadd.s32 @!p0 s1  }
0x2c7: {  	[bflag:$0x3] =	sbarrier.arrive $0xFFFF  }
0x2c8: {  	_ =	shalt  }

</sc_bundles>
